<compile_context>
chip_gen: v7x
topology: tpu7x:2x2x1
jax: 0.10.2.dev20260603
libtpu: 0.0.44.dev20260713+nightly
codegen_flags: <defaults>
</compile_context>

<pallas_src>
import functools
import numpy as np
import jax
from jax import lax
import jax.numpy as jnp
from jax.experimental import pallas as pl
from jax.experimental.pallas import tpu as pltpu
from jax.experimental.pallas import tpu_sc as plsc

N = 62
F = 5
NH = 32
O1 = 64
NC = 3
NP = 64
NF = N * F
NFP = NP * F
NTRI = N * (N + 1) // 2
BN_EPS = 1e-5
_INV_SQRT1P = float(1.0 / np.sqrt(1.0 + BN_EPS))
_HI = jax.lax.Precision.HIGHEST

_r = np.arange(NFP)
_c = np.arange(NFP)
_E_SEL = np.zeros((NFP, NP), np.float32)
_E_SEL[_r, _r // F] = 1.0
_MASK = ((_r[:, None] % F) == (_c[None, :] // O1)).astype(np.float32)
_JREP = ((_c[:, None] % O1) == np.arange(O1)[None, :]).astype(np.float32)

@functools.lru_cache(maxsize=1)
def _sc_scatter_build():
    return functools.partial(
        pl.kernel,
        mesh=plsc.VectorSubcoreMesh(core_axis_name="c", subcore_axis_name="s",
                                    num_cores=1),
        out_type=jax.ShapeDtypeStruct((NP * NP,), jnp.float32),
        scratch_types=[pltpu.VMEM((NTRI,), jnp.float32),
                       pltpu.VMEM((256,), jnp.float32)],
        compiler_params=pltpu.CompilerParams(needs_layout_passes=False),
    )(_sc_scatter_body)


def _sc_scatter_body(ew_hbm, out_hbm, ew_v, row_v):
    wid = lax.axis_index("s")
    pltpu.sync_copy(ew_hbm, ew_v)
    for rr in range(4):
        i = wid * 4 + rr
        tri_i = (i * (i + 1)) // 2
        for k in range(4):
            j = lax.iota(jnp.int32, 16) + (k * 16)
            low = tri_i + j
            high = ((j * (j + 1)) // 2) + i
            idx = jnp.where(j <= i, low, high)
            valid = (j < N) & (i < N)
            idx = jnp.where(valid, idx, 0)
            vals = plsc.load_gather(ew_v, [idx])
            vals = jnp.where(valid, jnp.maximum(vals, 0.0), 0.0)
            row_v[pl.ds(rr * 64 + k * 16, 16)] = vals
    pltpu.sync_copy(row_v, out_hbm.at[pl.ds(wid * 256, 256)])


def _fold(a_ref, gmat_ref, e_ref, mask_ref, jrep_ref, gt_ref, bt_ref,
          bias1_ref, w_acc, c0_acc):
    a = a_ref[...]
    eye = (jax.lax.broadcasted_iota(jnp.int32, (NP, NP), 0) ==
           jax.lax.broadcasted_iota(jnp.int32, (NP, NP), 1)).astype(jnp.float32)
    drow = jnp.sum(a, axis=1, keepdims=True)
    dcol = jnp.sum(a, axis=0, keepdims=True)
    l = a * jax.lax.rsqrt(drow + 1e-10) * jax.lax.rsqrt(dcol + 1e-10)
    la = jnp.abs(l)
    deg_r = jnp.sum(la, axis=1, keepdims=True) + 1.0
    deg_c = jnp.sum(la, axis=0, keepdims=True) + 1.0
    s = (l + eye) * jax.lax.rsqrt(deg_r) * jax.lax.rsqrt(deg_c)
    p = jnp.dot(s, s, preferred_element_type=jnp.float32, precision=_HI)
    r = jnp.dot(p, gmat_ref[...], preferred_element_type=jnp.float32, precision=_HI)
    t1 = jnp.dot(e_ref[...], r, preferred_element_type=jnp.float32)
    w0 = jnp.dot(t1 * mask_ref[...], jrep_ref[...],
                 preferred_element_type=jnp.float32)

    w_acc[...] = w0 * (gt_ref[...] * _INV_SQRT1P)
    c0_acc[...] = (jnp.dot(bt_ref[...], w0, preferred_element_type=jnp.float32,
                           precision=_HI)
                   + bias1_ref[...])


def _fused_kernel(a_ref, gmat_ref, e_ref, mask_ref, jrep_ref, gt_ref, bt_ref,
                  bias1_ref, x_ref, w2_ref, b2_ref, o_ref, w_acc, c0_acc):
    @pl.when(pl.program_id(0) == 0)
    def _():
        _fold(a_ref, gmat_ref, e_ref, mask_ref, jrep_ref, gt_ref, bt_ref,
              bias1_ref, w_acc, c0_acc)

    w = w_acc[...]
    y = jnp.dot(x_ref[...], w[:NF, :], preferred_element_type=jnp.float32)
    y = jnp.maximum(y + c0_acc[...], 0.0)
    o_ref[...] = (jnp.dot(y, w2_ref[...], preferred_element_type=jnp.float32)
                  + b2_ref[...])


def kernel(X, edge_weight, bn_gamma, bn_beta, Wc, bc, W1, b1, W2, b2):
    B = X.shape[0]
    X_flat = X.reshape(B, NF)
    a_dense = _sc_scatter_build()(edge_weight).reshape(NP, NP)
    W1r = W1.reshape(O1, N, NH)
    G = jnp.einsum('onh,hf->nfo', W1r, Wc)
    Gmat = jnp.pad(G.reshape(N, F * O1), ((0, NP - N), (0, 0)))
    bias1 = (b1 + jnp.einsum('onh,h->o', W1r, bc)).reshape(1, O1)
    gt = jnp.pad(jnp.tile(bn_gamma, N), (0, NFP - NF)).reshape(NFP, 1)
    bt = jnp.pad(jnp.tile(bn_beta, N), (0, NFP - NF)).reshape(1, NFP)

    BT = 1024
    cblk = lambda i: (0, 0)
    out = pl.pallas_call(
        _fused_kernel,
        grid=(B // BT,),
        in_specs=[pl.BlockSpec((NP, NP), cblk),
                  pl.BlockSpec((NP, F * O1), cblk),
                  pl.BlockSpec((NFP, NP), cblk),
                  pl.BlockSpec((NFP, NFP), cblk),
                  pl.BlockSpec((NFP, O1), cblk),
                  pl.BlockSpec((NFP, 1), cblk),
                  pl.BlockSpec((1, NFP), cblk),
                  pl.BlockSpec((1, O1), cblk),
                  pl.BlockSpec((BT, NF), lambda i: (i, 0)),
                  pl.BlockSpec((O1, NC), cblk),
                  pl.BlockSpec((1, NC), cblk)],
        out_specs=pl.BlockSpec((BT, NC), lambda i: (i, 0)),
        out_shape=jax.ShapeDtypeStruct((B, NC), jnp.float32),
        scratch_shapes=[pltpu.VMEM((NFP, O1), jnp.float32),
                        pltpu.VMEM((1, O1), jnp.float32)],
    )(a_dense, Gmat, jnp.asarray(_E_SEL), jnp.asarray(_MASK), jnp.asarray(_JREP),
      gt, bt, bias1, X_flat, W2.T, b2.reshape(1, NC))
    return out

# --- scband reference (transcript-rebuilt; emitter-appended) ---
"""Pipeline reference for scband-dgcnn-model-5643587027209 (READ-ONLY COPY).

The authoritative reference and input builder live on the scoring server;
editing this copy changes nothing except your own understanding.
"""

import jax, jax.numpy as jnp
import numpy as np

NUM_NODES = 62
NUM_FEATURES = 5
NUM_HIDDENS = 32
NUM_CLASSES = 3
K = 2
BATCH = 1024
BN_EPS = 1e-5


def setup_inputs(seed: int = 0):
    key = jax.random.key(seed)
    ks = jax.random.split(key, 6)
    n_tril = NUM_NODES * (NUM_NODES + 1) // 2
    X = jax.random.normal(ks[0], (BATCH, NUM_NODES, NUM_FEATURES), dtype=jnp.float32)
    edge_weight = jax.random.uniform(ks[1], (n_tril,), dtype=jnp.float32)
    bn_gamma = jnp.ones((NUM_FEATURES,), dtype=jnp.float32)
    bn_beta = jnp.zeros((NUM_FEATURES,), dtype=jnp.float32)
    Wc = jax.random.normal(ks[2], (NUM_HIDDENS, NUM_FEATURES), dtype=jnp.float32) * (1.0 / np.sqrt(NUM_FEATURES))
    bc = jnp.zeros((NUM_HIDDENS,), dtype=jnp.float32)
    W1 = jax.random.normal(ks[3], (64, NUM_NODES * NUM_HIDDENS), dtype=jnp.float32) * (1.0 / np.sqrt(NUM_NODES * NUM_HIDDENS))
    b1 = jnp.zeros((64,), dtype=jnp.float32)
    W2 = jax.random.normal(ks[4], (NUM_CLASSES, 64), dtype=jnp.float32) * (1.0 / np.sqrt(64))
    b2 = jnp.zeros((NUM_CLASSES,), dtype=jnp.float32)
    return {"X": X, "edge_weight": edge_weight, "bn_gamma": bn_gamma, "bn_beta": bn_beta,
            "Wc": Wc, "bc": bc, "W1": W1, "b1": b1, "W2": W2, "b2": b2}


def _build_edges(B, N):
    # fully-connected edge_index per graph, offset per batch sample, then
    # appended self-loops (mirrors PyG add_self_loops with fill_value=1)
    src = np.repeat(np.arange(N), N)
    dst = np.tile(np.arange(N), N)
    offs = (np.arange(B) * N)[:, None]
    rows = (src[None, :] + offs).reshape(-1)
    cols = (dst[None, :] + offs).reshape(-1)
    loop = np.arange(B * N)
    rows = np.concatenate([rows, loop])
    cols = np.concatenate([cols, loop])
    return jnp.asarray(rows, dtype=jnp.int32), jnp.asarray(cols, dtype=jnp.int32)


def reference(X, edge_weight, bn_gamma, bn_beta, Wc, bc, W1, b1, W2, b2):
    B, N, F = X.shape
    xs, ys = np.tril_indices(N)
    # scatter lower-tri learnable weights into dense adjacency
    A = jnp.zeros((N, N), dtype=X.dtype).at[xs, ys].set(edge_weight)
    A = A + A.T - jnp.diag(jnp.diag(A))
    # normalize_A
    A = jax.nn.relu(A)
    d = jnp.sum(A, axis=1)
    dinv = 1.0 / jnp.sqrt(d + 1e-10)
    L = dinv[:, None] * A * dinv[None, :]
    # tile per-graph weights over the batch, append self-loop weight 1
    w = jnp.tile(L.reshape(-1), B)
    rows, cols = _build_edges(B, N)
    w = jnp.concatenate([w, jnp.ones((B * N,), dtype=X.dtype)])
    # NewSGConv.norm: sym-normalize with abs-degree
    deg = jax.ops.segment_sum(jnp.abs(w), rows, num_segments=B * N)
    deg_safe = jnp.where(deg > 0, deg, 1.0)
    dis = jnp.where(deg > 0, deg_safe ** -0.5, 0.0)
    norm = dis[rows] * w * dis[cols]
    # eval-mode BatchNorm1d over feature dim (running_mean=0, running_var=1)
    x = (X - 0.0) / jnp.sqrt(1.0 + BN_EPS) * bn_gamma + bn_beta
    x = x.reshape(B * N, F)
    # K rounds of propagation: out[col] += norm * x[row]
    for _ in range(K):
        x = jax.ops.segment_sum(norm[:, None] * jnp.take(x, rows, axis=0), cols, num_segments=B * N)
    x = x @ Wc.T + bc
    x = x.reshape(B, N * NUM_HIDDENS)
    x = jax.nn.relu(x @ W1.T + b1)
    x = x @ W2.T + b2
    return x

if __name__ == "__main__":
    import jax
    _d = setup_inputs()
    print(jax.jit(kernel)(*tuple(_d.values())))

</pallas_src>

<mosaic_0001>
#map = affine_map<(d0, d1) -> (0)>
module attributes {stable_mosaic.version = 14 : i64} {
  func.func @_sc_scatter_body(%arg0: i32, %arg1: i32, %arg2: memref<1953xf32, #tpu.memory_space<hbm>>, %arg3: memref<4096xf32, #tpu.memory_space<hbm>>, %arg4: memref<1953xf32, #tpu.memory_space<vmem>>, %arg5: memref<256xf32, #tpu.memory_space<vmem>>) attributes {dimension_semantics = [#tpu.dimension_semantics<core_parallel>, #tpu.dimension_semantics<subcore_parallel>], iteration_bounds = array<i64: 1, 16>, scalar_prefetch = 0 : i64, scratch_operands = 2 : i64, tpu.core_type = #tpu.core_type<sc_vector_subcore>, window_params = [{transform_indices = #map}, {transform_indices = #map}]} {
    "tpu.region"() ({
      %run_scoped3A = tpu.sem_alloc : memref<!tpu.dma_semaphore, #tpu.memory_space<semaphore_mem>>
      tpu.enqueue_dma source(%arg2 : memref<1953xf32, #tpu.memory_space<hbm>>) target(%arg4 : memref<1953xf32, #tpu.memory_space<vmem>>) target_semaphore(%run_scoped3A : memref<!tpu.dma_semaphore, #tpu.memory_space<semaphore_mem>>)
      tpu.wait_dma2 semaphore(%run_scoped3A : memref<!tpu.dma_semaphore, #tpu.memory_space<semaphore_mem>>) src(%arg2 : memref<1953xf32, #tpu.memory_space<hbm>>) dst(%arg4 : memref<1953xf32, #tpu.memory_space<vmem>>)
      tpu.yield
    }) : () -> ()
    %mul3A = arith.constant 4 : i32
    %mul3A_0 = arith.muli %arg1, %mul3A : i32
    %add3A = arith.constant 0 : i32
    %add3A_1 = arith.addi %mul3A_0, %add3A : i32
    %add3A_2 = arith.constant 1 : i32
    %add3A_3 = arith.addi %add3A_1, %add3A_2 : i32
    %mul3A_4 = arith.muli %add3A_1, %add3A_3 : i32
    %jit3A = arith.constant 2 : i32
    %div3A = arith.divsi %mul3A_4, %jit3A : i32
    %sign3A = arith.constant 0 : i32
    %sign3A_5 = arith.cmpi sgt, %mul3A_4, %sign3A : i32
    %sign3A_6 = arith.extui %sign3A_5 : i1 to i32
    %sign3A_7 = arith.constant 0 : i32
    %sign3A_8 = arith.cmpi slt, %mul3A_4, %sign3A_7 : i32
    %sign3A_9 = arith.extui %sign3A_8 : i1 to i32
    %sign3A_10 = arith.subi %sign3A_6, %sign3A_9 : i32
    %sign3A_11 = arith.constant 0 : i32
    %sign3A_12 = arith.cmpi sgt, %jit3A, %sign3A_11 : i32
    %sign3A_13 = arith.extui %sign3A_12 : i1 to i32
    %sign3A_14 = arith.constant 0 : i32
    %sign3A_15 = arith.cmpi slt, %jit3A, %sign3A_14 : i32
    %sign3A_16 = arith.extui %sign3A_15 : i1 to i32
    %sign3A_17 = arith.subi %sign3A_13, %sign3A_16 : i32
    %ne3A = arith.cmpi ne, %sign3A_10, %sign3A_17 : i32
    %rem3A = arith.remsi %mul3A_4, %jit3A : i32
    %ne3A_18 = arith.constant 0 : i32
    %ne3A_19 = arith.cmpi ne, %rem3A, %ne3A_18 : i32
    %and3A = arith.andi %ne3A, %ne3A_19 : i1
    %sub3A = arith.constant 1 : i32
    %sub3A_20 = arith.subi %div3A, %sub3A : i32
    %select_n3A = arith.select %and3A, %sub3A_20, %div3A : i32
    %iota3A = tpu.iota {dimensions = array<i32: 0>} : vector<16xi32>
    %add3A_21 = arith.constant 0 : i32
    %add3A_22 = vector.broadcast %add3A_21 : i32 to vector<16xi32>
    %add3A_23 = arith.addi %iota3A, %add3A_22 : vector<16xi32>
    %add3A_24 = vector.broadcast %select_n3A : i32 to vector<16xi32>
    %add3A_25 = arith.addi %add3A_24, %add3A_23 : vector<16xi32>
    %add3A_26 = arith.constant 1 : i32
    %add3A_27 = vector.broadcast %add3A_26 : i32 to vector<16xi32>
    %add3A_28 = arith.addi %add3A_23, %add3A_27 : vector<16xi32>
    %mul3A_29 = arith.muli %add3A_23, %add3A_28 : vector<16xi32>
    %jit3A_30 = arith.constant 2 : i32
    %div3A_31 = vector.broadcast %jit3A_30 : i32 to vector<16xi32>
    %div3A_32 = arith.divsi %mul3A_29, %div3A_31 : vector<16xi32>
    %sign3A_33 = arith.constant 0 : i32
    %sign3A_34 = vector.broadcast %sign3A_33 : i32 to vector<16xi32>
    %sign3A_35 = arith.cmpi sgt, %mul3A_29, %sign3A_34 : vector<16xi32>
    %sign3A_36 = arith.extui %sign3A_35 : vector<16xi1> to vector<16xi32>
    %sign3A_37 = arith.constant 0 : i32
    %sign3A_38 = vector.broadcast %sign3A_37 : i32 to vector<16xi32>
    %sign3A_39 = arith.cmpi slt, %mul3A_29, %sign3A_38 : vector<16xi32>
    %sign3A_40 = arith.extui %sign3A_39 : vector<16xi1> to vector<16xi32>
    %sign3A_41 = arith.subi %sign3A_36, %sign3A_40 : vector<16xi32>
    %sign3A_42 = arith.constant 0 : i32
    %sign3A_43 = arith.cmpi sgt, %jit3A_30, %sign3A_42 : i32
    %sign3A_44 = arith.extui %sign3A_43 : i1 to i32
    %sign3A_45 = arith.constant 0 : i32
    %sign3A_46 = arith.cmpi slt, %jit3A_30, %sign3A_45 : i32
    %sign3A_47 = arith.extui %sign3A_46 : i1 to i32
    %sign3A_48 = arith.subi %sign3A_44, %sign3A_47 : i32
    %ne3A_49 = vector.broadcast %sign3A_48 : i32 to vector<16xi32>
    %ne3A_50 = arith.cmpi ne, %sign3A_41, %ne3A_49 : vector<16xi32>
    %rem3A_51 = vector.broadcast %jit3A_30 : i32 to vector<16xi32>
    %rem3A_52 = arith.remsi %mul3A_29, %rem3A_51 : vector<16xi32>
    %ne3A_53 = arith.constant 0 : i32
    %ne3A_54 = vector.broadcast %ne3A_53 : i32 to vector<16xi32>
    %ne3A_55 = arith.cmpi ne, %rem3A_52, %ne3A_54 : vector<16xi32>
    %and3A_56 = arith.andi %ne3A_50, %ne3A_55 : vector<16xi1>
    %sub3A_57 = arith.constant 1 : i32
    %sub3A_58 = vector.broadcast %sub3A_57 : i32 to vector<16xi32>
    %sub3A_59 = arith.subi %div3A_32, %sub3A_58 : vector<16xi32>
    %select_n3A_60 = arith.select %and3A_56, %sub3A_59, %div3A_32 : vector<16xi1>, vector<16xi32>
    %add3A_61 = vector.broadcast %add3A_1 : i32 to vector<16xi32>
    %add3A_62 = arith.addi %select_n3A_60, %add3A_61 : vector<16xi32>
    %le3A = vector.broadcast %add3A_1 : i32 to vector<16xi32>
    %le3A_63 = arith.cmpi sle, %add3A_23, %le3A : vector<16xi32>
    %select_n3A_64 = arith.select %le3A_63, %add3A_25, %add3A_62 : vector<16xi1>, vector<16xi32>
    %lt3A = arith.constant 62 : i32
    %lt3A_65 = vector.broadcast %lt3A : i32 to vector<16xi32>
    %lt3A_66 = arith.cmpi slt, %add3A_23, %lt3A_65 : vector<16xi32>
    %lt3A_67 = arith.constant 62 : i32
    %lt3A_68 = arith.cmpi slt, %add3A_1, %lt3A_67 : i32
    %and3A_69 = vector.broadcast %lt3A_68 : i1 to vector<16xi1>
    %and3A_70 = arith.andi %lt3A_66, %and3A_69 : vector<16xi1>
    %jit3A_71 = arith.constant 0 : i32
    %broadcast_in_dim3A = vector.broadcast %jit3A_71 : i32 to vector<16xi32>
    %select_n3A_72 = arith.select %and3A_70, %select_n3A_64, %broadcast_in_dim3A : vector<16xi1>, vector<16xi32>
    %gather3A = tpu.vector_load_idx %arg4[%select_n3A_72] : memref<1953xf32, #tpu.memory_space<vmem>>[vector<16xi32>], vector<16xf32>,
    %max3A = arith.constant 0.000000e+00 : f32
    %max3A_73 = vector.broadcast %max3A : f32 to vector<16xf32>
    %max3A_74 = arith.maximumf %gather3A, %max3A_73 : vector<16xf32>
    %jit3A_75 = arith.constant 0.000000e+00 : f32
    %broadcast_in_dim3A_76 = vector.broadcast %jit3A_75 : f32 to vector<16xf32>
    %select_n3A_77 = arith.select %and3A_70, %max3A_74, %broadcast_in_dim3A_76 : vector<16xi1>, vector<16xf32>
    %swap3A = arith.constant 0 : index
    %swap3A_78 = tpu.vector_load %arg5[%swap3A] {strides = array<i32>} : memref<256xf32, #tpu.memory_space<vmem>>, vector<16xf32>,
    tpu.vector_store %arg5[%swap3A], %select_n3A_77 {strides = array<i32>} : memref<256xf32, #tpu.memory_space<vmem>>, vector<16xf32>,
    %iota3A_79 = tpu.iota {dimensions = array<i32: 0>} : vector<16xi32>
    %add3A_80 = arith.constant 16 : i32
    %add3A_81 = vector.broadcast %add3A_80 : i32 to vector<16xi32>
    %add3A_82 = arith.addi %iota3A_79, %add3A_81 : vector<16xi32>
    %add3A_83 = vector.broadcast %select_n3A : i32 to vector<16xi32>
    %add3A_84 = arith.addi %add3A_83, %add3A_82 : vector<16xi32>
    %add3A_85 = arith.constant 1 : i32
    %add3A_86 = vector.broadcast %add3A_85 : i32 to vector<16xi32>
    %add3A_87 = arith.addi %add3A_82, %add3A_86 : vector<16xi32>
    %mul3A_88 = arith.muli %add3A_82, %add3A_87 : vector<16xi32>
    %jit3A_89 = arith.constant 2 : i32
    %div3A_90 = vector.broadcast %jit3A_89 : i32 to vector<16xi32>
    %div3A_91 = arith.divsi %mul3A_88, %div3A_90 : vector<16xi32>
    %sign3A_92 = arith.constant 0 : i32
    %sign3A_93 = vector.broadcast %sign3A_92 : i32 to vector<16xi32>
    %sign3A_94 = arith.cmpi sgt, %mul3A_88, %sign3A_93 : vector<16xi32>
    %sign3A_95 = arith.extui %sign3A_94 : vector<16xi1> to vector<16xi32>
    %sign3A_96 = arith.constant 0 : i32
    %sign3A_97 = vector.broadcast %sign3A_96 : i32 to vector<16xi32>
    %sign3A_98 = arith.cmpi slt, %mul3A_88, %sign3A_97 : vector<16xi32>
    %sign3A_99 = arith.extui %sign3A_98 : vector<16xi1> to vector<16xi32>
    %sign3A_100 = arith.subi %sign3A_95, %sign3A_99 : vector<16xi32>
    %sign3A_101 = arith.constant 0 : i32
    %sign3A_102 = arith.cmpi sgt, %jit3A_89, %sign3A_101 : i32
    %sign3A_103 = arith.extui %sign3A_102 : i1 to i32
    %sign3A_104 = arith.constant 0 : i32
    %sign3A_105 = arith.cmpi slt, %jit3A_89, %sign3A_104 : i32
    %sign3A_106 = arith.extui %sign3A_105 : i1 to i32
    %sign3A_107 = arith.subi %sign3A_103, %sign3A_106 : i32
    %ne3A_108 = vector.broadcast %sign3A_107 : i32 to vector<16xi32>
    %ne3A_109 = arith.cmpi ne, %sign3A_100, %ne3A_108 : vector<16xi32>
    %rem3A_110 = vector.broadcast %jit3A_89 : i32 to vector<16xi32>
    %rem3A_111 = arith.remsi %mul3A_88, %rem3A_110 : vector<16xi32>
    %ne3A_112 = arith.constant 0 : i32
    %ne3A_113 = vector.broadcast %ne3A_112 : i32 to vector<16xi32>
    %ne3A_114 = arith.cmpi ne, %rem3A_111, %ne3A_113 : vector<16xi32>
    %and3A_115 = arith.andi %ne3A_109, %ne3A_114 : vector<16xi1>
    %sub3A_116 = arith.constant 1 : i32
    %sub3A_117 = vector.broadcast %sub3A_116 : i32 to vector<16xi32>
    %sub3A_118 = arith.subi %div3A_91, %sub3A_117 : vector<16xi32>
    %select_n3A_119 = arith.select %and3A_115, %sub3A_118, %div3A_91 : vector<16xi1>, vector<16xi32>
    %add3A_120 = vector.broadcast %add3A_1 : i32 to vector<16xi32>
    %add3A_121 = arith.addi %select_n3A_119, %add3A_120 : vector<16xi32>
    %le3A_122 = vector.broadcast %add3A_1 : i32 to vector<16xi32>
    %le3A_123 = arith.cmpi sle, %add3A_82, %le3A_122 : vector<16xi32>
    %select_n3A_124 = arith.select %le3A_123, %add3A_84, %add3A_121 : vector<16xi1>, vector<16xi32>
    %lt3A_125 = arith.constant 62 : i32
    %lt3A_126 = vector.broadcast %lt3A_125 : i32 to vector<16xi32>
    %lt3A_127 = arith.cmpi slt, %add3A_82, %lt3A_126 : vector<16xi32>
    %lt3A_128 = arith.constant 62 : i32
    %lt3A_129 = arith.cmpi slt, %add3A_1, %lt3A_128 : i32
    %and3A_130 = vector.broadcast %lt3A_129 : i1 to vector<16xi1>
    %and3A_131 = arith.andi %lt3A_127, %and3A_130 : vector<16xi1>
    %jit3A_132 = arith.constant 0 : i32
    %broadcast_in_dim3A_133 = vector.broadcast %jit3A_132 : i32 to vector<16xi32>
    %select_n3A_134 = arith.select %and3A_131, %select_n3A_124, %broadcast_in_dim3A_133 : vector<16xi1>, vector<16xi32>
    %gather3A_135 = tpu.vector_load_idx %arg4[%select_n3A_134] : memref<1953xf32, #tpu.memory_space<vmem>>[vector<16xi32>], vector<16xf32>,
    %max3A_136 = arith.constant 0.000000e+00 : f32
    %max3A_137 = vector.broadcast %max3A_136 : f32 to vector<16xf32>
    %max3A_138 = arith.maximumf %gather3A_135, %max3A_137 : vector<16xf32>
    %jit3A_139 = arith.constant 0.000000e+00 : f32
    %broadcast_in_dim3A_140 = vector.broadcast %jit3A_139 : f32 to vector<16xf32>
    %select_n3A_141 = arith.select %and3A_131, %max3A_138, %broadcast_in_dim3A_140 : vector<16xi1>, vector<16xf32>
    %swap3A_142 = arith.constant 16 : index
    %swap3A_143 = tpu.vector_load %arg5[%swap3A_142] {strides = array<i32>} : memref<256xf32, #tpu.memory_space<vmem>>, vector<16xf32>,
    tpu.vector_store %arg5[%swap3A_142], %select_n3A_141 {strides = array<i32>} : memref<256xf32, #tpu.memory_space<vmem>>, vector<16xf32>,
    %iota3A_144 = tpu.iota {dimensions = array<i32: 0>} : vector<16xi32>
    %add3A_145 = arith.constant 32 : i32
    %add3A_146 = vector.broadcast %add3A_145 : i32 to vector<16xi32>
    %add3A_147 = arith.addi %iota3A_144, %add3A_146 : vector<16xi32>
    %add3A_148 = vector.broadcast %select_n3A : i32 to vector<16xi32>
    %add3A_149 = arith.addi %add3A_148, %add3A_147 : vector<16xi32>
    %add3A_150 = arith.constant 1 : i32
    %add3A_151 = vector.broadcast %add3A_150 : i32 to vector<16xi32>
    %add3A_152 = arith.addi %add3A_147, %add3A_151 : vector<16xi32>
    %mul3A_153 = arith.muli %add3A_147, %add3A_152 : vector<16xi32>
    %jit3A_154 = arith.constant 2 : i32
    %div3A_155 = vector.broadcast %jit3A_154 : i32 to vector<16xi32>
    %div3A_156 = arith.divsi %mul3A_153, %div3A_155 : vector<16xi32>
    %sign3A_157 = arith.constant 0 : i32
    %sign3A_158 = vector.broadcast %sign3A_157 : i32 to vector<16xi32>
    %sign3A_159 = arith.cmpi sgt, %mul3A_153, %sign3A_158 : vector<16xi32>
    %sign3A_160 = arith.extui %sign3A_159 : vector<16xi1> to vector<16xi32>
    %sign3A_161 = arith.constant 0 : i32
    %sign3A_162 = vector.broadcast %sign3A_161 : i32 to vector<16xi32>
    %sign3A_163 = arith.cmpi slt, %mul3A_153, %sign3A_162 : vector<16xi32>
    %sign3A_164 = arith.extui %sign3A_163 : vector<16xi1> to vector<16xi32>
    %sign3A_165 = arith.subi %sign3A_160, %sign3A_164 : vector<16xi32>
    %sign3A_166 = arith.constant 0 : i32
    %sign3A_167 = arith.cmpi sgt, %jit3A_154, %sign3A_166 : i32
    %sign3A_168 = arith.extui %sign3A_167 : i1 to i32
    %sign3A_169 = arith.constant 0 : i32
    %sign3A_170 = arith.cmpi slt, %jit3A_154, %sign3A_169 : i32
    %sign3A_171 = arith.extui %sign3A_170 : i1 to i32
    %sign3A_172 = arith.subi %sign3A_168, %sign3A_171 : i32
    %ne3A_173 = vector.broadcast %sign3A_172 : i32 to vector<16xi32>
    %ne3A_174 = arith.cmpi ne, %sign3A_165, %ne3A_173 : vector<16xi32>
    %rem3A_175 = vector.broadcast %jit3A_154 : i32 to vector<16xi32>
    %rem3A_176 = arith.remsi %mul3A_153, %rem3A_175 : vector<16xi32>
    %ne3A_177 = arith.constant 0 : i32
    %ne3A_178 = vector.broadcast %ne3A_177 : i32 to vector<16xi32>
    %ne3A_179 = arith.cmpi ne, %rem3A_176, %ne3A_178 : vector<16xi32>
    %and3A_180 = arith.andi %ne3A_174, %ne3A_179 : vector<16xi1>
    %sub3A_181 = arith.constant 1 : i32
    %sub3A_182 = vector.broadcast %sub3A_181 : i32 to vector<16xi32>
    %sub3A_183 = arith.subi %div3A_156, %sub3A_182 : vector<16xi32>
    %select_n3A_184 = arith.select %and3A_180, %sub3A_183, %div3A_156 : vector<16xi1>, vector<16xi32>
    %add3A_185 = vector.broadcast %add3A_1 : i32 to vector<16xi32>
    %add3A_186 = arith.addi %select_n3A_184, %add3A_185 : vector<16xi32>
    %le3A_187 = vector.broadcast %add3A_1 : i32 to vector<16xi32>
    %le3A_188 = arith.cmpi sle, %add3A_147, %le3A_187 : vector<16xi32>
    %select_n3A_189 = arith.select %le3A_188, %add3A_149, %add3A_186 : vector<16xi1>, vector<16xi32>
    %lt3A_190 = arith.constant 62 : i32
    %lt3A_191 = vector.broadcast %lt3A_190 : i32 to vector<16xi32>
    %lt3A_192 = arith.cmpi slt, %add3A_147, %lt3A_191 : vector<16xi32>
    %lt3A_193 = arith.constant 62 : i32
    %lt3A_194 = arith.cmpi slt, %add3A_1, %lt3A_193 : i32
    %and3A_195 = vector.broadcast %lt3A_194 : i1 to vector<16xi1>
    %and3A_196 = arith.andi %lt3A_192, %and3A_195 : vector<16xi1>
    %jit3A_197 = arith.constant 0 : i32
    %broadcast_in_dim3A_198 = vector.broadcast %jit3A_197 : i32 to vector<16xi32>
    %select_n3A_199 = arith.select %and3A_196, %select_n3A_189, %broadcast_in_dim3A_198 : vector<16xi1>, vector<16xi32>
    %gather3A_200 = tpu.vector_load_idx %arg4[%select_n3A_199] : memref<1953xf32, #tpu.memory_space<vmem>>[vector<16xi32>], vector<16xf32>,
    %max3A_201 = arith.constant 0.000000e+00 : f32
    %max3A_202 = vector.broadcast %max3A_201 : f32 to vector<16xf32>
    %max3A_203 = arith.maximumf %gather3A_200, %max3A_202 : vector<16xf32>
    %jit3A_204 = arith.constant 0.000000e+00 : f32
    %broadcast_in_dim3A_205 = vector.broadcast %jit3A_204 : f32 to vector<16xf32>
    %select_n3A_206 = arith.select %and3A_196, %max3A_203, %broadcast_in_dim3A_205 : vector<16xi1>, vector<16xf32>
    %swap3A_207 = arith.constant 32 : index
    %swap3A_208 = tpu.vector_load %arg5[%swap3A_207] {strides = array<i32>} : memref<256xf32, #tpu.memory_space<vmem>>, vector<16xf32>,
    tpu.vector_store %arg5[%swap3A_207], %select_n3A_206 {strides = array<i32>} : memref<256xf32, #tpu.memory_space<vmem>>, vector<16xf32>,
    %iota3A_209 = tpu.iota {dimensions = array<i32: 0>} : vector<16xi32>
    %add3A_210 = arith.constant 48 : i32
    %add3A_211 = vector.broadcast %add3A_210 : i32 to vector<16xi32>
    %add3A_212 = arith.addi %iota3A_209, %add3A_211 : vector<16xi32>
    %add3A_213 = vector.broadcast %select_n3A : i32 to vector<16xi32>
    %add3A_214 = arith.addi %add3A_213, %add3A_212 : vector<16xi32>
    %add3A_215 = arith.constant 1 : i32
    %add3A_216 = vector.broadcast %add3A_215 : i32 to vector<16xi32>
    %add3A_217 = arith.addi %add3A_212, %add3A_216 : vector<16xi32>
    %mul3A_218 = arith.muli %add3A_212, %add3A_217 : vector<16xi32>
    %jit3A_219 = arith.constant 2 : i32
    %div3A_220 = vector.broadcast %jit3A_219 : i32 to vector<16xi32>
    %div3A_221 = arith.divsi %mul3A_218, %div3A_220 : vector<16xi32>
    %sign3A_222 = arith.constant 0 : i32
    %sign3A_223 = vector.broadcast %sign3A_222 : i32 to vector<16xi32>
    %sign3A_224 = arith.cmpi sgt, %mul3A_218, %sign3A_223 : vector<16xi32>
    %sign3A_225 = arith.extui %sign3A_224 : vector<16xi1> to vector<16xi32>
    %sign3A_226 = arith.constant 0 : i32
    %sign3A_227 = vector.broadcast %sign3A_226 : i32 to vector<16xi32>
    %sign3A_228 = arith.cmpi slt, %mul3A_218, %sign3A_227 : vector<16xi32>
    %sign3A_229 = arith.extui %sign3A_228 : vector<16xi1> to vector<16xi32>
    %sign3A_230 = arith.subi %sign3A_225, %sign3A_229 : vector<16xi32>
    %sign3A_231 = arith.constant 0 : i32
    %sign3A_232 = arith.cmpi sgt, %jit3A_219, %sign3A_231 : i32
    %sign3A_233 = arith.extui %sign3A_232 : i1 to i32
    %sign3A_234 = arith.constant 0 : i32
    %sign3A_235 = arith.cmpi slt, %jit3A_219, %sign3A_234 : i32
    %sign3A_236 = arith.extui %sign3A_235 : i1 to i32
    %sign3A_237 = arith.subi %sign3A_233, %sign3A_236 : i32
    %ne3A_238 = vector.broadcast %sign3A_237 : i32 to vector<16xi32>
    %ne3A_239 = arith.cmpi ne, %sign3A_230, %ne3A_238 : vector<16xi32>
    %rem3A_240 = vector.broadcast %jit3A_219 : i32 to vector<16xi32>
    %rem3A_241 = arith.remsi %mul3A_218, %rem3A_240 : vector<16xi32>
    %ne3A_242 = arith.constant 0 : i32
    %ne3A_243 = vector.broadcast %ne3A_242 : i32 to vector<16xi32>
    %ne3A_244 = arith.cmpi ne, %rem3A_241, %ne3A_243 : vector<16xi32>
    %and3A_245 = arith.andi %ne3A_239, %ne3A_244 : vector<16xi1>
    %sub3A_246 = arith.constant 1 : i32
    %sub3A_247 = vector.broadcast %sub3A_246 : i32 to vector<16xi32>
    %sub3A_248 = arith.subi %div3A_221, %sub3A_247 : vector<16xi32>
    %select_n3A_249 = arith.select %and3A_245, %sub3A_248, %div3A_221 : vector<16xi1>, vector<16xi32>
    %add3A_250 = vector.broadcast %add3A_1 : i32 to vector<16xi32>
    %add3A_251 = arith.addi %select_n3A_249, %add3A_250 : vector<16xi32>
    %le3A_252 = vector.broadcast %add3A_1 : i32 to vector<16xi32>
    %le3A_253 = arith.cmpi sle, %add3A_212, %le3A_252 : vector<16xi32>
    %select_n3A_254 = arith.select %le3A_253, %add3A_214, %add3A_251 : vector<16xi1>, vector<16xi32>
    %lt3A_255 = arith.constant 62 : i32
    %lt3A_256 = vector.broadcast %lt3A_255 : i32 to vector<16xi32>
    %lt3A_257 = arith.cmpi slt, %add3A_212, %lt3A_256 : vector<16xi32>
    %lt3A_258 = arith.constant 62 : i32
    %lt3A_259 = arith.cmpi slt, %add3A_1, %lt3A_258 : i32
    %and3A_260 = vector.broadcast %lt3A_259 : i1 to vector<16xi1>
    %and3A_261 = arith.andi %lt3A_257, %and3A_260 : vector<16xi1>
    %jit3A_262 = arith.constant 0 : i32
    %broadcast_in_dim3A_263 = vector.broadcast %jit3A_262 : i32 to vector<16xi32>
    %select_n3A_264 = arith.select %and3A_261, %select_n3A_254, %broadcast_in_dim3A_263 : vector<16xi1>, vector<16xi32>
    %gather3A_265 = tpu.vector_load_idx %arg4[%select_n3A_264] : memref<1953xf32, #tpu.memory_space<vmem>>[vector<16xi32>], vector<16xf32>,
    %max3A_266 = arith.constant 0.000000e+00 : f32
    %max3A_267 = vector.broadcast %max3A_266 : f32 to vector<16xf32>
    %max3A_268 = arith.maximumf %gather3A_265, %max3A_267 : vector<16xf32>
    %jit3A_269 = arith.constant 0.000000e+00 : f32
    %broadcast_in_dim3A_270 = vector.broadcast %jit3A_269 : f32 to vector<16xf32>
    %select_n3A_271 = arith.select %and3A_261, %max3A_268, %broadcast_in_dim3A_270 : vector<16xi1>, vector<16xf32>
    %swap3A_272 = arith.constant 48 : index
    %swap3A_273 = tpu.vector_load %arg5[%swap3A_272] {strides = array<i32>} : memref<256xf32, #tpu.memory_space<vmem>>, vector<16xf32>,
    tpu.vector_store %arg5[%swap3A_272], %select_n3A_271 {strides = array<i32>} : memref<256xf32, #tpu.memory_space<vmem>>, vector<16xf32>,
    %mul3A_274 = arith.constant 4 : i32
    %mul3A_275 = arith.muli %arg1, %mul3A_274 : i32
    %add3A_276 = arith.constant 1 : i32
    %add3A_277 = arith.addi %mul3A_275, %add3A_276 : i32
    %add3A_278 = arith.constant 1 : i32
    %add3A_279 = arith.addi %add3A_277, %add3A_278 : i32
    %mul3A_280 = arith.muli %add3A_277, %add3A_279 : i32
    %jit3A_281 = arith.constant 2 : i32
    %div3A_282 = arith.divsi %mul3A_280, %jit3A_281 : i32
    %sign3A_283 = arith.constant 0 : i32
    %sign3A_284 = arith.cmpi sgt, %mul3A_280, %sign3A_283 : i32
    %sign3A_285 = arith.extui %sign3A_284 : i1 to i32
    %sign3A_286 = arith.constant 0 : i32
    %sign3A_287 = arith.cmpi slt, %mul3A_280, %sign3A_286 : i32
    %sign3A_288 = arith.extui %sign3A_287 : i1 to i32
    %sign3A_289 = arith.subi %sign3A_285, %sign3A_288 : i32
    %sign3A_290 = arith.constant 0 : i32
    %sign3A_291 = arith.cmpi sgt, %jit3A_281, %sign3A_290 : i32
    %sign3A_292 = arith.extui %sign3A_291 : i1 to i32
    %sign3A_293 = arith.constant 0 : i32
    %sign3A_294 = arith.cmpi slt, %jit3A_281, %sign3A_293 : i32
    %sign3A_295 = arith.extui %sign3A_294 : i1 to i32
    %sign3A_296 = arith.subi %sign3A_292, %sign3A_295 : i32
    %ne3A_297 = arith.cmpi ne, %sign3A_289, %sign3A_296 : i32
    %rem3A_298 = arith.remsi %mul3A_280, %jit3A_281 : i32
    %ne3A_299 = arith.constant 0 : i32
    %ne3A_300 = arith.cmpi ne, %rem3A_298, %ne3A_299 : i32
    %and3A_301 = arith.andi %ne3A_297, %ne3A_300 : i1
    %sub3A_302 = arith.constant 1 : i32
    %sub3A_303 = arith.subi %div3A_282, %sub3A_302 : i32
    %select_n3A_304 = arith.select %and3A_301, %sub3A_303, %div3A_282 : i32
    %iota3A_305 = tpu.iota {dimensions = array<i32: 0>} : vector<16xi32>
    %add3A_306 = arith.constant 0 : i32
    %add3A_307 = vector.broadcast %add3A_306 : i32 to vector<16xi32>
    %add3A_308 = arith.addi %iota3A_305, %add3A_307 : vector<16xi32>
    %add3A_309 = vector.broadcast %select_n3A_304 : i32 to vector<16xi32>
    %add3A_310 = arith.addi %add3A_309, %add3A_308 : vector<16xi32>
    %add3A_311 = arith.constant 1 : i32
    %add3A_312 = vector.broadcast %add3A_311 : i32 to vector<16xi32>
    %add3A_313 = arith.addi %add3A_308, %add3A_312 : vector<16xi32>
    %mul3A_314 = arith.muli %add3A_308, %add3A_313 : vector<16xi32>
    %jit3A_315 = arith.constant 2 : i32
    %div3A_316 = vector.broadcast %jit3A_315 : i32 to vector<16xi32>
    %div3A_317 = arith.divsi %mul3A_314, %div3A_316 : vector<16xi32>
    %sign3A_318 = arith.constant 0 : i32
    %sign3A_319 = vector.broadcast %sign3A_318 : i32 to vector<16xi32>
    %sign3A_320 = arith.cmpi sgt, %mul3A_314, %sign3A_319 : vector<16xi32>
    %sign3A_321 = arith.extui %sign3A_320 : vector<16xi1> to vector<16xi32>
    %sign3A_322 = arith.constant 0 : i32
    %sign3A_323 = vector.broadcast %sign3A_322 : i32 to vector<16xi32>
    %sign3A_324 = arith.cmpi slt, %mul3A_314, %sign3A_323 : vector<16xi32>
    %sign3A_325 = arith.extui %sign3A_324 : vector<16xi1> to vector<16xi32>
    %sign3A_326 = arith.subi %sign3A_321, %sign3A_325 : vector<16xi32>
    %sign3A_327 = arith.constant 0 : i32
    %sign3A_328 = arith.cmpi sgt, %jit3A_315, %sign3A_327 : i32
    %sign3A_329 = arith.extui %sign3A_328 : i1 to i32
    %sign3A_330 = arith.constant 0 : i32
    %sign3A_331 = arith.cmpi slt, %jit3A_315, %sign3A_330 : i32
    %sign3A_332 = arith.extui %sign3A_331 : i1 to i32
    %sign3A_333 = arith.subi %sign3A_329, %sign3A_332 : i32
    %ne3A_334 = vector.broadcast %sign3A_333 : i32 to vector<16xi32>
    %ne3A_335 = arith.cmpi ne, %sign3A_326, %ne3A_334 : vector<16xi32>
    %rem3A_336 = vector.broadcast %jit3A_315 : i32 to vector<16xi32>
    %rem3A_337 = arith.remsi %mul3A_314, %rem3A_336 : vector<16xi32>
    %ne3A_338 = arith.constant 0 : i32
    %ne3A_339 = vector.broadcast %ne3A_338 : i32 to vector<16xi32>
    %ne3A_340 = arith.cmpi ne, %rem3A_337, %ne3A_339 : vector<16xi32>
    %and3A_341 = arith.andi %ne3A_335, %ne3A_340 : vector<16xi1>
    %sub3A_342 = arith.constant 1 : i32
    %sub3A_343 = vector.broadcast %sub3A_342 : i32 to vector<16xi32>
    %sub3A_344 = arith.subi %div3A_317, %sub3A_343 : vector<16xi32>
    %select_n3A_345 = arith.select %and3A_341, %sub3A_344, %div3A_317 : vector<16xi1>, vector<16xi32>
    %add3A_346 = vector.broadcast %add3A_277 : i32 to vector<16xi32>
    %add3A_347 = arith.addi %select_n3A_345, %add3A_346 : vector<16xi32>
    %le3A_348 = vector.broadcast %add3A_277 : i32 to vector<16xi32>
    %le3A_349 = arith.cmpi sle, %add3A_308, %le3A_348 : vector<16xi32>
    %select_n3A_350 = arith.select %le3A_349, %add3A_310, %add3A_347 : vector<16xi1>, vector<16xi32>
    %lt3A_351 = arith.constant 62 : i32
    %lt3A_352 = vector.broadcast %lt3A_351 : i32 to vector<16xi32>
    %lt3A_353 = arith.cmpi slt, %add3A_308, %lt3A_352 : vector<16xi32>
    %lt3A_354 = arith.constant 62 : i32
    %lt3A_355 = arith.cmpi slt, %add3A_277, %lt3A_354 : i32
    %and3A_356 = vector.broadcast %lt3A_355 : i1 to vector<16xi1>
    %and3A_357 = arith.andi %lt3A_353, %and3A_356 : vector<16xi1>
    %jit3A_358 = arith.constant 0 : i32
    %broadcast_in_dim3A_359 = vector.broadcast %jit3A_358 : i32 to vector<16xi32>
    %select_n3A_360 = arith.select %and3A_357, %select_n3A_350, %broadcast_in_dim3A_359 : vector<16xi1>, vector<16xi32>
    %gather3A_361 = tpu.vector_load_idx %arg4[%select_n3A_360] : memref<1953xf32, #tpu.memory_space<vmem>>[vector<16xi32>], vector<16xf32>,
    %max3A_362 = arith.constant 0.000000e+00 : f32
    %max3A_363 = vector.broadcast %max3A_362 : f32 to vector<16xf32>
    %max3A_364 = arith.maximumf %gather3A_361, %max3A_363 : vector<16xf32>
    %jit3A_365 = arith.constant 0.000000e+00 : f32
    %broadcast_in_dim3A_366 = vector.broadcast %jit3A_365 : f32 to vector<16xf32>
    %select_n3A_367 = arith.select %and3A_357, %max3A_364, %broadcast_in_dim3A_366 : vector<16xi1>, vector<16xf32>
    %swap3A_368 = arith.constant 64 : index
    %swap3A_369 = tpu.vector_load %arg5[%swap3A_368] {strides = array<i32>} : memref<256xf32, #tpu.memory_space<vmem>>, vector<16xf32>,
    tpu.vector_store %arg5[%swap3A_368], %select_n3A_367 {strides = array<i32>} : memref<256xf32, #tpu.memory_space<vmem>>, vector<16xf32>,
    %iota3A_370 = tpu.iota {dimensions = array<i32: 0>} : vector<16xi32>
    %add3A_371 = arith.constant 16 : i32
    %add3A_372 = vector.broadcast %add3A_371 : i32 to vector<16xi32>
    %add3A_373 = arith.addi %iota3A_370, %add3A_372 : vector<16xi32>
    %add3A_374 = vector.broadcast %select_n3A_304 : i32 to vector<16xi32>
    %add3A_375 = arith.addi %add3A_374, %add3A_373 : vector<16xi32>
    %add3A_376 = arith.constant 1 : i32
    %add3A_377 = vector.broadcast %add3A_376 : i32 to vector<16xi32>
    %add3A_378 = arith.addi %add3A_373, %add3A_377 : vector<16xi32>
    %mul3A_379 = arith.muli %add3A_373, %add3A_378 : vector<16xi32>
    %jit3A_380 = arith.constant 2 : i32
    %div3A_381 = vector.broadcast %jit3A_380 : i32 to vector<16xi32>
    %div3A_382 = arith.divsi %mul3A_379, %div3A_381 : vector<16xi32>
    %sign3A_383 = arith.constant 0 : i32
    %sign3A_384 = vector.broadcast %sign3A_383 : i32 to vector<16xi32>
    %sign3A_385 = arith.cmpi sgt, %mul3A_379, %sign3A_384 : vector<16xi32>
    %sign3A_386 = arith.extui %sign3A_385 : vector<16xi1> to vector<16xi32>
    %sign3A_387 = arith.constant 0 : i32
    %sign3A_388 = vector.broadcast %sign3A_387 : i32 to vector<16xi32>
    %sign3A_389 = arith.cmpi slt, %mul3A_379, %sign3A_388 : vector<16xi32>
    %sign3A_390 = arith.extui %sign3A_389 : vector<16xi1> to vector<16xi32>
    %sign3A_391 = arith.subi %sign3A_386, %sign3A_390 : vector<16xi32>
    %sign3A_392 = arith.constant 0 : i32
    %sign3A_393 = arith.cmpi sgt, %jit3A_380, %sign3A_392 : i32
    %sign3A_394 = arith.extui %sign3A_393 : i1 to i32
    %sign3A_395 = arith.constant 0 : i32
    %sign3A_396 = arith.cmpi slt, %jit3A_380, %sign3A_395 : i32
    %sign3A_397 = arith.extui %sign3A_396 : i1 to i32
    %sign3A_398 = arith.subi %sign3A_394, %sign3A_397 : i32
    %ne3A_399 = vector.broadcast %sign3A_398 : i32 to vector<16xi32>
    %ne3A_400 = arith.cmpi ne, %sign3A_391, %ne3A_399 : vector<16xi32>
    %rem3A_401 = vector.broadcast %jit3A_380 : i32 to vector<16xi32>
    %rem3A_402 = arith.remsi %mul3A_379, %rem3A_401 : vector<16xi32>
    %ne3A_403 = arith.constant 0 : i32
    %ne3A_404 = vector.broadcast %ne3A_403 : i32 to vector<16xi32>
    %ne3A_405 = arith.cmpi ne, %rem3A_402, %ne3A_404 : vector<16xi32>
    %and3A_406 = arith.andi %ne3A_400, %ne3A_405 : vector<16xi1>
    %sub3A_407 = arith.constant 1 : i32
    %sub3A_408 = vector.broadcast %sub3A_407 : i32 to vector<16xi32>
    %sub3A_409 = arith.subi %div3A_382, %sub3A_408 : vector<16xi32>
    %select_n3A_410 = arith.select %and3A_406, %sub3A_409, %div3A_382 : vector<16xi1>, vector<16xi32>
    %add3A_411 = vector.broadcast %add3A_277 : i32 to vector<16xi32>
    %add3A_412 = arith.addi %select_n3A_410, %add3A_411 : vector<16xi32>
    %le3A_413 = vector.broadcast %add3A_277 : i32 to vector<16xi32>
    %le3A_414 = arith.cmpi sle, %add3A_373, %le3A_413 : vector<16xi32>
    %select_n3A_415 = arith.select %le3A_414, %add3A_375, %add3A_412 : vector<16xi1>, vector<16xi32>
    %lt3A_416 = arith.constant 62 : i32
    %lt3A_417 = vector.broadcast %lt3A_416 : i32 to vector<16xi32>
    %lt3A_418 = arith.cmpi slt, %add3A_373, %lt3A_417 : vector<16xi32>
    %lt3A_419 = arith.constant 62 : i32
    %lt3A_420 = arith.cmpi slt, %add3A_277, %lt3A_419 : i32
    %and3A_421 = vector.broadcast %lt3A_420 : i1 to vector<16xi1>
    %and3A_422 = arith.andi %lt3A_418, %and3A_421 : vector<16xi1>
    %jit3A_423 = arith.constant 0 : i32
    %broadcast_in_dim3A_424 = vector.broadcast %jit3A_423 : i32 to vector<16xi32>
    %select_n3A_425 = arith.select %and3A_422, %select_n3A_415, %broadcast_in_dim3A_424 : vector<16xi1>, vector<16xi32>
    %gather3A_426 = tpu.vector_load_idx %arg4[%select_n3A_425] : memref<1953xf32, #tpu.memory_space<vmem>>[vector<16xi32>], vector<16xf32>,
    %max3A_427 = arith.constant 0.000000e+00 : f32
    %max3A_428 = vector.broadcast %max3A_427 : f32 to vector<16xf32>
    %max3A_429 = arith.maximumf %gather3A_426, %max3A_428 : vector<16xf32>
    %jit3A_430 = arith.constant 0.000000e+00 : f32
    %broadcast_in_dim3A_431 = vector.broadcast %jit3A_430 : f32 to vector<16xf32>
    %select_n3A_432 = arith.select %and3A_422, %max3A_429, %broadcast_in_dim3A_431 : vector<16xi1>, vector<16xf32>
    %swap3A_433 = arith.constant 80 : index
    %swap3A_434 = tpu.vector_load %arg5[%swap3A_433] {strides = array<i32>} : memref<256xf32, #tpu.memory_space<vmem>>, vector<16xf32>,
    tpu.vector_store %arg5[%swap3A_433], %select_n3A_432 {strides = array<i32>} : memref<256xf32, #tpu.memory_space<vmem>>, vector<16xf32>,
    %iota3A_435 = tpu.iota {dimensions = array<i32: 0>} : vector<16xi32>
    %add3A_436 = arith.constant 32 : i32
    %add3A_437 = vector.broadcast %add3A_436 : i32 to vector<16xi32>
    %add3A_438 = arith.addi %iota3A_435, %add3A_437 : vector<16xi32>
    %add3A_439 = vector.broadcast %select_n3A_304 : i32 to vector<16xi32>
    %add3A_440 = arith.addi %add3A_439, %add3A_438 : vector<16xi32>
    %add3A_441 = arith.constant 1 : i32
    %add3A_442 = vector.broadcast %add3A_441 : i32 to vector<16xi32>
    %add3A_443 = arith.addi %add3A_438, %add3A_442 : vector<16xi32>
    %mul3A_444 = arith.muli %add3A_438, %add3A_443 : vector<16xi32>
    %jit3A_445 = arith.constant 2 : i32
    %div3A_446 = vector.broadcast %jit3A_445 : i32 to vector<16xi32>
    %div3A_447 = arith.divsi %mul3A_444, %div3A_446 : vector<16xi32>
    %sign3A_448 = arith.constant 0 : i32
    %sign3A_449 = vector.broadcast %sign3A_448 : i32 to vector<16xi32>
    %sign3A_450 = arith.cmpi sgt, %mul3A_444, %sign3A_449 : vector<16xi32>
    %sign3A_451 = arith.extui %sign3A_450 : vector<16xi1> to vector<16xi32>
    %sign3A_452 = arith.constant 0 : i32
    %sign3A_453 = vector.broadcast %sign3A_452 : i32 to vector<16xi32>
    %sign3A_454 = arith.cmpi slt, %mul3A_444, %sign3A_453 : vector<16xi32>
    %sign3A_455 = arith.extui %sign3A_454 : vector<16xi1> to vector<16xi32>
    %sign3A_456 = arith.subi %sign3A_451, %sign3A_455 : vector<16xi32>
    %sign3A_457 = arith.constant 0 : i32
    %sign3A_458 = arith.cmpi sgt, %jit3A_445, %sign3A_457 : i32
    %sign3A_459 = arith.extui %sign3A_458 : i1 to i32
    %sign3A_460 = arith.constant 0 : i32
    %sign3A_461 = arith.cmpi slt, %jit3A_445, %sign3A_460 : i32
    %sign3A_462 = arith.extui %sign3A_461 : i1 to i32
    %sign3A_463 = arith.subi %sign3A_459, %sign3A_462 : i32
    %ne3A_464 = vector.broadcast %sign3A_463 : i32 to vector<16xi32>
    %ne3A_465 = arith.cmpi ne, %sign3A_456, %ne3A_464 : vector<16xi32>
    %rem3A_466 = vector.broadcast %jit3A_445 : i32 to vector<16xi32>
    %rem3A_467 = arith.remsi %mul3A_444, %rem3A_466 : vector<16xi32>
    %ne3A_468 = arith.constant 0 : i32
    %ne3A_469 = vector.broadcast %ne3A_468 : i32 to vector<16xi32>
    %ne3A_470 = arith.cmpi ne, %rem3A_467, %ne3A_469 : vector<16xi32>
    %and3A_471 = arith.andi %ne3A_465, %ne3A_470 : vector<16xi1>
    %sub3A_472 = arith.constant 1 : i32
    %sub3A_473 = vector.broadcast %sub3A_472 : i32 to vector<16xi32>
    %sub3A_474 = arith.subi %div3A_447, %sub3A_473 : vector<16xi32>
    %select_n3A_475 = arith.select %and3A_471, %sub3A_474, %div3A_447 : vector<16xi1>, vector<16xi32>
    %add3A_476 = vector.broadcast %add3A_277 : i32 to vector<16xi32>
    %add3A_477 = arith.addi %select_n3A_475, %add3A_476 : vector<16xi32>
    %le3A_478 = vector.broadcast %add3A_277 : i32 to vector<16xi32>
    %le3A_479 = arith.cmpi sle, %add3A_438, %le3A_478 : vector<16xi32>
    %select_n3A_480 = arith.select %le3A_479, %add3A_440, %add3A_477 : vector<16xi1>, vector<16xi32>
    %lt3A_481 = arith.constant 62 : i32
    %lt3A_482 = vector.broadcast %lt3A_481 : i32 to vector<16xi32>
    %lt3A_483 = arith.cmpi slt, %add3A_438, %lt3A_482 : vector<16xi32>
    %lt3A_484 = arith.constant 62 : i32
    %lt3A_485 = arith.cmpi slt, %add3A_277, %lt3A_484 : i32
    %and3A_486 = vector.broadcast %lt3A_485 : i1 to vector<16xi1>
    %and3A_487 = arith.andi %lt3A_483, %and3A_486 : vector<16xi1>
    %jit3A_488 = arith.constant 0 : i32
    %broadcast_in_dim3A_489 = vector.broadcast %jit3A_488 : i32 to vector<16xi32>
    %select_n3A_490 = arith.select %and3A_487, %select_n3A_480, %broadcast_in_dim3A_489 : vector<16xi1>, vector<16xi32>
    %gather3A_491 = tpu.vector_load_idx %arg4[%select_n3A_490] : memref<1953xf32, #tpu.memory_space<vmem>>[vector<16xi32>], vector<16xf32>,
    %max3A_492 = arith.constant 0.000000e+00 : f32
    %max3A_493 = vector.broadcast %max3A_492 : f32 to vector<16xf32>
    %max3A_494 = arith.maximumf %gather3A_491, %max3A_493 : vector<16xf32>
    %jit3A_495 = arith.constant 0.000000e+00 : f32
    %broadcast_in_dim3A_496 = vector.broadcast %jit3A_495 : f32 to vector<16xf32>
    %select_n3A_497 = arith.select %and3A_487, %max3A_494, %broadcast_in_dim3A_496 : vector<16xi1>, vector<16xf32>
    %swap3A_498 = arith.constant 96 : index
    %swap3A_499 = tpu.vector_load %arg5[%swap3A_498] {strides = array<i32>} : memref<256xf32, #tpu.memory_space<vmem>>, vector<16xf32>,
    tpu.vector_store %arg5[%swap3A_498], %select_n3A_497 {strides = array<i32>} : memref<256xf32, #tpu.memory_space<vmem>>, vector<16xf32>,
    %iota3A_500 = tpu.iota {dimensions = array<i32: 0>} : vector<16xi32>
    %add3A_501 = arith.constant 48 : i32
    %add3A_502 = vector.broadcast %add3A_501 : i32 to vector<16xi32>
    %add3A_503 = arith.addi %iota3A_500, %add3A_502 : vector<16xi32>
    %add3A_504 = vector.broadcast %select_n3A_304 : i32 to vector<16xi32>
    %add3A_505 = arith.addi %add3A_504, %add3A_503 : vector<16xi32>
    %add3A_506 = arith.constant 1 : i32
    %add3A_507 = vector.broadcast %add3A_506 : i32 to vector<16xi32>
    %add3A_508 = arith.addi %add3A_503, %add3A_507 : vector<16xi32>
    %mul3A_509 = arith.muli %add3A_503, %add3A_508 : vector<16xi32>
    %jit3A_510 = arith.constant 2 : i32
    %div3A_511 = vector.broadcast %jit3A_510 : i32 to vector<16xi32>
    %div3A_512 = arith.divsi %mul3A_509, %div3A_511 : vector<16xi32>
    %sign3A_513 = arith.constant 0 : i32
    %sign3A_514 = vector.broadcast %sign3A_513 : i32 to vector<16xi32>
    %sign3A_515 = arith.cmpi sgt, %mul3A_509, %sign3A_514 : vector<16xi32>
    %sign3A_516 = arith.extui %sign3A_515 : vector<16xi1> to vector<16xi32>
    %sign3A_517 = arith.constant 0 : i32
    %sign3A_518 = vector.broadcast %sign3A_517 : i32 to vector<16xi32>
    %sign3A_519 = arith.cmpi slt, %mul3A_509, %sign3A_518 : vector<16xi32>
    %sign3A_520 = arith.extui %sign3A_519 : vector<16xi1> to vector<16xi32>
    %sign3A_521 = arith.subi %sign3A_516, %sign3A_520 : vector<16xi32>
    %sign3A_522 = arith.constant 0 : i32
    %sign3A_523 = arith.cmpi sgt, %jit3A_510, %sign3A_522 : i32
    %sign3A_524 = arith.extui %sign3A_523 : i1 to i32
    %sign3A_525 = arith.constant 0 : i32
    %sign3A_526 = arith.cmpi slt, %jit3A_510, %sign3A_525 : i32
    %sign3A_527 = arith.extui %sign3A_526 : i1 to i32
    %sign3A_528 = arith.subi %sign3A_524, %sign3A_527 : i32
    %ne3A_529 = vector.broadcast %sign3A_528 : i32 to vector<16xi32>
    %ne3A_530 = arith.cmpi ne, %sign3A_521, %ne3A_529 : vector<16xi32>
    %rem3A_531 = vector.broadcast %jit3A_510 : i32 to vector<16xi32>
    %rem3A_532 = arith.remsi %mul3A_509, %rem3A_531 : vector<16xi32>
    %ne3A_533 = arith.constant 0 : i32
    %ne3A_534 = vector.broadcast %ne3A_533 : i32 to vector<16xi32>
    %ne3A_535 = arith.cmpi ne, %rem3A_532, %ne3A_534 : vector<16xi32>
    %and3A_536 = arith.andi %ne3A_530, %ne3A_535 : vector<16xi1>
    %sub3A_537 = arith.constant 1 : i32
    %sub3A_538 = vector.broadcast %sub3A_537 : i32 to vector<16xi32>
    %sub3A_539 = arith.subi %div3A_512, %sub3A_538 : vector<16xi32>
    %select_n3A_540 = arith.select %and3A_536, %sub3A_539, %div3A_512 : vector<16xi1>, vector<16xi32>
    %add3A_541 = vector.broadcast %add3A_277 : i32 to vector<16xi32>
    %add3A_542 = arith.addi %select_n3A_540, %add3A_541 : vector<16xi32>
    %le3A_543 = vector.broadcast %add3A_277 : i32 to vector<16xi32>
    %le3A_544 = arith.cmpi sle, %add3A_503, %le3A_543 : vector<16xi32>
    %select_n3A_545 = arith.select %le3A_544, %add3A_505, %add3A_542 : vector<16xi1>, vector<16xi32>
    %lt3A_546 = arith.constant 62 : i32
    %lt3A_547 = vector.broadcast %lt3A_546 : i32 to vector<16xi32>
    %lt3A_548 = arith.cmpi slt, %add3A_503, %lt3A_547 : vector<16xi32>
    %lt3A_549 = arith.constant 62 : i32
    %lt3A_550 = arith.cmpi slt, %add3A_277, %lt3A_549 : i32
    %and3A_551 = vector.broadcast %lt3A_550 : i1 to vector<16xi1>
    %and3A_552 = arith.andi %lt3A_548, %and3A_551 : vector<16xi1>
    %jit3A_553 = arith.constant 0 : i32
    %broadcast_in_dim3A_554 = vector.broadcast %jit3A_553 : i32 to vector<16xi32>
    %select_n3A_555 = arith.select %and3A_552, %select_n3A_545, %broadcast_in_dim3A_554 : vector<16xi1>, vector<16xi32>
    %gather3A_556 = tpu.vector_load_idx %arg4[%select_n3A_555] : memref<1953xf32, #tpu.memory_space<vmem>>[vector<16xi32>], vector<16xf32>,
    %max3A_557 = arith.constant 0.000000e+00 : f32
    %max3A_558 = vector.broadcast %max3A_557 : f32 to vector<16xf32>
    %max3A_559 = arith.maximumf %gather3A_556, %max3A_558 : vector<16xf32>
    %jit3A_560 = arith.constant 0.000000e+00 : f32
    %broadcast_in_dim3A_561 = vector.broadcast %jit3A_560 : f32 to vector<16xf32>
    %select_n3A_562 = arith.select %and3A_552, %max3A_559, %broadcast_in_dim3A_561 : vector<16xi1>, vector<16xf32>
    %swap3A_563 = arith.constant 112 : index
    %swap3A_564 = tpu.vector_load %arg5[%swap3A_563] {strides = array<i32>} : memref<256xf32, #tpu.memory_space<vmem>>, vector<16xf32>,
    tpu.vector_store %arg5[%swap3A_563], %select_n3A_562 {strides = array<i32>} : memref<256xf32, #tpu.memory_space<vmem>>, vector<16xf32>,
    %mul3A_565 = arith.constant 4 : i32
    %mul3A_566 = arith.muli %arg1, %mul3A_565 : i32
    %add3A_567 = arith.constant 2 : i32
    %add3A_568 = arith.addi %mul3A_566, %add3A_567 : i32
    %add3A_569 = arith.constant 1 : i32
    %add3A_570 = arith.addi %add3A_568, %add3A_569 : i32
    %mul3A_571 = arith.muli %add3A_568, %add3A_570 : i32
    %jit3A_572 = arith.constant 2 : i32
    %div3A_573 = arith.divsi %mul3A_571, %jit3A_572 : i32
    %sign3A_574 = arith.constant 0 : i32
    %sign3A_575 = arith.cmpi sgt, %mul3A_571, %sign3A_574 : i32
    %sign3A_576 = arith.extui %sign3A_575 : i1 to i32
    %sign3A_577 = arith.constant 0 : i32
    %sign3A_578 = arith.cmpi slt, %mul3A_571, %sign3A_577 : i32
    %sign3A_579 = arith.extui %sign3A_578 : i1 to i32
    %sign3A_580 = arith.subi %sign3A_576, %sign3A_579 : i32
    %sign3A_581 = arith.constant 0 : i32
    %sign3A_582 = arith.cmpi sgt, %jit3A_572, %sign3A_581 : i32
    %sign3A_583 = arith.extui %sign3A_582 : i1 to i32
    %sign3A_584 = arith.constant 0 : i32
    %sign3A_585 = arith.cmpi slt, %jit3A_572, %sign3A_584 : i32
    %sign3A_586 = arith.extui %sign3A_585 : i1 to i32
    %sign3A_587 = arith.subi %sign3A_583, %sign3A_586 : i32
    %ne3A_588 = arith.cmpi ne, %sign3A_580, %sign3A_587 : i32
    %rem3A_589 = arith.remsi %mul3A_571, %jit3A_572 : i32
    %ne3A_590 = arith.constant 0 : i32
    %ne3A_591 = arith.cmpi ne, %rem3A_589, %ne3A_590 : i32
    %and3A_592 = arith.andi %ne3A_588, %ne3A_591 : i1
    %sub3A_593 = arith.constant 1 : i32
    %sub3A_594 = arith.subi %div3A_573, %sub3A_593 : i32
    %select_n3A_595 = arith.select %and3A_592, %sub3A_594, %div3A_573 : i32
    %iota3A_596 = tpu.iota {dimensions = array<i32: 0>} : vector<16xi32>
    %add3A_597 = arith.constant 0 : i32
    %add3A_598 = vector.broadcast %add3A_597 : i32 to vector<16xi32>
    %add3A_599 = arith.addi %iota3A_596, %add3A_598 : vector<16xi32>
    %add3A_600 = vector.broadcast %select_n3A_595 : i32 to vector<16xi32>
    %add3A_601 = arith.addi %add3A_600, %add3A_599 : vector<16xi32>
    %add3A_602 = arith.constant 1 : i32
    %add3A_603 = vector.broadcast %add3A_602 : i32 to vector<16xi32>
    %add3A_604 = arith.addi %add3A_599, %add3A_603 : vector<16xi32>
    %mul3A_605 = arith.muli %add3A_599, %add3A_604 : vector<16xi32>
    %jit3A_606 = arith.constant 2 : i32
    %div3A_607 = vector.broadcast %jit3A_606 : i32 to vector<16xi32>
    %div3A_608 = arith.divsi %mul3A_605, %div3A_607 : vector<16xi32>
    %sign3A_609 = arith.constant 0 : i32
    %sign3A_610 = vector.broadcast %sign3A_609 : i32 to vector<16xi32>
    %sign3A_611 = arith.cmpi sgt, %mul3A_605, %sign3A_610 : vector<16xi32>
    %sign3A_612 = arith.extui %sign3A_611 : vector<16xi1> to vector<16xi32>
    %sign3A_613 = arith.constant 0 : i32
    %sign3A_614 = vector.broadcast %sign3A_613 : i32 to vector<16xi32>
    %sign3A_615 = arith.cmpi slt, %mul3A_605, %sign3A_614 : vector<16xi32>
    %sign3A_616 = arith.extui %sign3A_615 : vector<16xi1> to vector<16xi32>
    %sign3A_617 = arith.subi %sign3A_612, %sign3A_616 : vector<16xi32>
    %sign3A_618 = arith.constant 0 : i32
    %sign3A_619 = arith.cmpi sgt, %jit3A_606, %sign3A_618 : i32
    %sign3A_620 = arith.extui %sign3A_619 : i1 to i32
    %sign3A_621 = arith.constant 0 : i32
    %sign3A_622 = arith.cmpi slt, %jit3A_606, %sign3A_621 : i32
    %sign3A_623 = arith.extui %sign3A_622 : i1 to i32
    %sign3A_624 = arith.subi %sign3A_620, %sign3A_623 : i32
    %ne3A_625 = vector.broadcast %sign3A_624 : i32 to vector<16xi32>
    %ne3A_626 = arith.cmpi ne, %sign3A_617, %ne3A_625 : vector<16xi32>
    %rem3A_627 = vector.broadcast %jit3A_606 : i32 to vector<16xi32>
    %rem3A_628 = arith.remsi %mul3A_605, %rem3A_627 : vector<16xi32>
    %ne3A_629 = arith.constant 0 : i32
    %ne3A_630 = vector.broadcast %ne3A_629 : i32 to vector<16xi32>
    %ne3A_631 = arith.cmpi ne, %rem3A_628, %ne3A_630 : vector<16xi32>
    %and3A_632 = arith.andi %ne3A_626, %ne3A_631 : vector<16xi1>
    %sub3A_633 = arith.constant 1 : i32
    %sub3A_634 = vector.broadcast %sub3A_633 : i32 to vector<16xi32>
    %sub3A_635 = arith.subi %div3A_608, %sub3A_634 : vector<16xi32>
    %select_n3A_636 = arith.select %and3A_632, %sub3A_635, %div3A_608 : vector<16xi1>, vector<16xi32>
    %add3A_637 = vector.broadcast %add3A_568 : i32 to vector<16xi32>
    %add3A_638 = arith.addi %select_n3A_636, %add3A_637 : vector<16xi32>
    %le3A_639 = vector.broadcast %add3A_568 : i32 to vector<16xi32>
    %le3A_640 = arith.cmpi sle, %add3A_599, %le3A_639 : vector<16xi32>
    %select_n3A_641 = arith.select %le3A_640, %add3A_601, %add3A_638 : vector<16xi1>, vector<16xi32>
    %lt3A_642 = arith.constant 62 : i32
    %lt3A_643 = vector.broadcast %lt3A_642 : i32 to vector<16xi32>
    %lt3A_644 = arith.cmpi slt, %add3A_599, %lt3A_643 : vector<16xi32>
    %lt3A_645 = arith.constant 62 : i32
    %lt3A_646 = arith.cmpi slt, %add3A_568, %lt3A_645 : i32
    %and3A_647 = vector.broadcast %lt3A_646 : i1 to vector<16xi1>
    %and3A_648 = arith.andi %lt3A_644, %and3A_647 : vector<16xi1>
    %jit3A_649 = arith.constant 0 : i32
    %broadcast_in_dim3A_650 = vector.broadcast %jit3A_649 : i32 to vector<16xi32>
    %select_n3A_651 = arith.select %and3A_648, %select_n3A_641, %broadcast_in_dim3A_650 : vector<16xi1>, vector<16xi32>
    %gather3A_652 = tpu.vector_load_idx %arg4[%select_n3A_651] : memref<1953xf32, #tpu.memory_space<vmem>>[vector<16xi32>], vector<16xf32>,
    %max3A_653 = arith.constant 0.000000e+00 : f32
    %max3A_654 = vector.broadcast %max3A_653 : f32 to vector<16xf32>
    %max3A_655 = arith.maximumf %gather3A_652, %max3A_654 : vector<16xf32>
    %jit3A_656 = arith.constant 0.000000e+00 : f32
    %broadcast_in_dim3A_657 = vector.broadcast %jit3A_656 : f32 to vector<16xf32>
    %select_n3A_658 = arith.select %and3A_648, %max3A_655, %broadcast_in_dim3A_657 : vector<16xi1>, vector<16xf32>
    %swap3A_659 = arith.constant 128 : index
    %swap3A_660 = tpu.vector_load %arg5[%swap3A_659] {strides = array<i32>} : memref<256xf32, #tpu.memory_space<vmem>>, vector<16xf32>,
    tpu.vector_store %arg5[%swap3A_659], %select_n3A_658 {strides = array<i32>} : memref<256xf32, #tpu.memory_space<vmem>>, vector<16xf32>,
    %iota3A_661 = tpu.iota {dimensions = array<i32: 0>} : vector<16xi32>
    %add3A_662 = arith.constant 16 : i32
    %add3A_663 = vector.broadcast %add3A_662 : i32 to vector<16xi32>
    %add3A_664 = arith.addi %iota3A_661, %add3A_663 : vector<16xi32>
    %add3A_665 = vector.broadcast %select_n3A_595 : i32 to vector<16xi32>
    %add3A_666 = arith.addi %add3A_665, %add3A_664 : vector<16xi32>
    %add3A_667 = arith.constant 1 : i32
    %add3A_668 = vector.broadcast %add3A_667 : i32 to vector<16xi32>
    %add3A_669 = arith.addi %add3A_664, %add3A_668 : vector<16xi32>
    %mul3A_670 = arith.muli %add3A_664, %add3A_669 : vector<16xi32>
    %jit3A_671 = arith.constant 2 : i32
    %div3A_672 = vector.broadcast %jit3A_671 : i32 to vector<16xi32>
    %div3A_673 = arith.divsi %mul3A_670, %div3A_672 : vector<16xi32>
    %sign3A_674 = arith.constant 0 : i32
    %sign3A_675 = vector.broadcast %sign3A_674 : i32 to vector<16xi32>
    %sign3A_676 = arith.cmpi sgt, %mul3A_670, %sign3A_675 : vector<16xi32>
    %sign3A_677 = arith.extui %sign3A_676 : vector<16xi1> to vector<16xi32>
    %sign3A_678 = arith.constant 0 : i32
    %sign3A_679 = vector.broadcast %sign3A_678 : i32 to vector<16xi32>
    %sign3A_680 = arith.cmpi slt, %mul3A_670, %sign3A_679 : vector<16xi32>
    %sign3A_681 = arith.extui %sign3A_680 : vector<16xi1> to vector<16xi32>
    %sign3A_682 = arith.subi %sign3A_677, %sign3A_681 : vector<16xi32>
    %sign3A_683 = arith.constant 0 : i32
    %sign3A_684 = arith.cmpi sgt, %jit3A_671, %sign3A_683 : i32
    %sign3A_685 = arith.extui %sign3A_684 : i1 to i32
    %sign3A_686 = arith.constant 0 : i32
    %sign3A_687 = arith.cmpi slt, %jit3A_671, %sign3A_686 : i32
    %sign3A_688 = arith.extui %sign3A_687 : i1 to i32
    %sign3A_689 = arith.subi %sign3A_685, %sign3A_688 : i32
    %ne3A_690 = vector.broadcast %sign3A_689 : i32 to vector<16xi32>
    %ne3A_691 = arith.cmpi ne, %sign3A_682, %ne3A_690 : vector<16xi32>
    %rem3A_692 = vector.broadcast %jit3A_671 : i32 to vector<16xi32>
    %rem3A_693 = arith.remsi %mul3A_670, %rem3A_692 : vector<16xi32>
    %ne3A_694 = arith.constant 0 : i32
    %ne3A_695 = vector.broadcast %ne3A_694 : i32 to vector<16xi32>
    %ne3A_696 = arith.cmpi ne, %rem3A_693, %ne3A_695 : vector<16xi32>
    %and3A_697 = arith.andi %ne3A_691, %ne3A_696 : vector<16xi1>
    %sub3A_698 = arith.constant 1 : i32
    %sub3A_699 = vector.broadcast %sub3A_698 : i32 to vector<16xi32>
    %sub3A_700 = arith.subi %div3A_673, %sub3A_699 : vector<16xi32>
    %select_n3A_701 = arith.select %and3A_697, %sub3A_700, %div3A_673 : vector<16xi1>, vector<16xi32>
    %add3A_702 = vector.broadcast %add3A_568 : i32 to vector<16xi32>
    %add3A_703 = arith.addi %select_n3A_701, %add3A_702 : vector<16xi32>
    %le3A_704 = vector.broadcast %add3A_568 : i32 to vector<16xi32>
    %le3A_705 = arith.cmpi sle, %add3A_664, %le3A_704 : vector<16xi32>
    %select_n3A_706 = arith.select %le3A_705, %add3A_666, %add3A_703 : vector<16xi1>, vector<16xi32>
    %lt3A_707 = arith.constant 62 : i32
    %lt3A_708 = vector.broadcast %lt3A_707 : i32 to vector<16xi32>
    %lt3A_709 = arith.cmpi slt, %add3A_664, %lt3A_708 : vector<16xi32>
    %lt3A_710 = arith.constant 62 : i32
    %lt3A_711 = arith.cmpi slt, %add3A_568, %lt3A_710 : i32
    %and3A_712 = vector.broadcast %lt3A_711 : i1 to vector<16xi1>
    %and3A_713 = arith.andi %lt3A_709, %and3A_712 : vector<16xi1>
    %jit3A_714 = arith.constant 0 : i32
    %broadcast_in_dim3A_715 = vector.broadcast %jit3A_714 : i32 to vector<16xi32>
    %select_n3A_716 = arith.select %and3A_713, %select_n3A_706, %broadcast_in_dim3A_715 : vector<16xi1>, vector<16xi32>
    %gather3A_717 = tpu.vector_load_idx %arg4[%select_n3A_716] : memref<1953xf32, #tpu.memory_space<vmem>>[vector<16xi32>], vector<16xf32>,
    %max3A_718 = arith.constant 0.000000e+00 : f32
    %max3A_719 = vector.broadcast %max3A_718 : f32 to vector<16xf32>
    %max3A_720 = arith.maximumf %gather3A_717, %max3A_719 : vector<16xf32>
    %jit3A_721 = arith.constant 0.000000e+00 : f32
    %broadcast_in_dim3A_722 = vector.broadcast %jit3A_721 : f32 to vector<16xf32>
    %select_n3A_723 = arith.select %and3A_713, %max3A_720, %broadcast_in_dim3A_722 : vector<16xi1>, vector<16xf32>
    %swap3A_724 = arith.constant 144 : index
    %swap3A_725 = tpu.vector_load %arg5[%swap3A_724] {strides = array<i32>} : memref<256xf32, #tpu.memory_space<vmem>>, vector<16xf32>,
    tpu.vector_store %arg5[%swap3A_724], %select_n3A_723 {strides = array<i32>} : memref<256xf32, #tpu.memory_space<vmem>>, vector<16xf32>,
    %iota3A_726 = tpu.iota {dimensions = array<i32: 0>} : vector<16xi32>
    %add3A_727 = arith.constant 32 : i32
    %add3A_728 = vector.broadcast %add3A_727 : i32 to vector<16xi32>
    %add3A_729 = arith.addi %iota3A_726, %add3A_728 : vector<16xi32>
    %add3A_730 = vector.broadcast %select_n3A_595 : i32 to vector<16xi32>
    %add3A_731 = arith.addi %add3A_730, %add3A_729 : vector<16xi32>
    %add3A_732 = arith.constant 1 : i32
    %add3A_733 = vector.broadcast %add3A_732 : i32 to vector<16xi32>
    %add3A_734 = arith.addi %add3A_729, %add3A_733 : vector<16xi32>
    %mul3A_735 = arith.muli %add3A_729, %add3A_734 : vector<16xi32>
    %jit3A_736 = arith.constant 2 : i32
    %div3A_737 = vector.broadcast %jit3A_736 : i32 to vector<16xi32>
    %div3A_738 = arith.divsi %mul3A_735, %div3A_737 : vector<16xi32>
    %sign3A_739 = arith.constant 0 : i32
    %sign3A_740 = vector.broadcast %sign3A_739 : i32 to vector<16xi32>
    %sign3A_741 = arith.cmpi sgt, %mul3A_735, %sign3A_740 : vector<16xi32>
    %sign3A_742 = arith.extui %sign3A_741 : vector<16xi1> to vector<16xi32>
    %sign3A_743 = arith.constant 0 : i32
    %sign3A_744 = vector.broadcast %sign3A_743 : i32 to vector<16xi32>
    %sign3A_745 = arith.cmpi slt, %mul3A_735, %sign3A_744 : vector<16xi32>
    %sign3A_746 = arith.extui %sign3A_745 : vector<16xi1> to vector<16xi32>
    %sign3A_747 = arith.subi %sign3A_742, %sign3A_746 : vector<16xi32>
    %sign3A_748 = arith.constant 0 : i32
    %sign3A_749 = arith.cmpi sgt, %jit3A_736, %sign3A_748 : i32
    %sign3A_750 = arith.extui %sign3A_749 : i1 to i32
    %sign3A_751 = arith.constant 0 : i32
    %sign3A_752 = arith.cmpi slt, %jit3A_736, %sign3A_751 : i32
    %sign3A_753 = arith.extui %sign3A_752 : i1 to i32
    %sign3A_754 = arith.subi %sign3A_750, %sign3A_753 : i32
    %ne3A_755 = vector.broadcast %sign3A_754 : i32 to vector<16xi32>
    %ne3A_756 = arith.cmpi ne, %sign3A_747, %ne3A_755 : vector<16xi32>
    %rem3A_757 = vector.broadcast %jit3A_736 : i32 to vector<16xi32>
    %rem3A_758 = arith.remsi %mul3A_735, %rem3A_757 : vector<16xi32>
    %ne3A_759 = arith.constant 0 : i32
    %ne3A_760 = vector.broadcast %ne3A_759 : i32 to vector<16xi32>
    %ne3A_761 = arith.cmpi ne, %rem3A_758, %ne3A_760 : vector<16xi32>
    %and3A_762 = arith.andi %ne3A_756, %ne3A_761 : vector<16xi1>
    %sub3A_763 = arith.constant 1 : i32
    %sub3A_764 = vector.broadcast %sub3A_763 : i32 to vector<16xi32>
    %sub3A_765 = arith.subi %div3A_738, %sub3A_764 : vector<16xi32>
    %select_n3A_766 = arith.select %and3A_762, %sub3A_765, %div3A_738 : vector<16xi1>, vector<16xi32>
    %add3A_767 = vector.broadcast %add3A_568 : i32 to vector<16xi32>
    %add3A_768 = arith.addi %select_n3A_766, %add3A_767 : vector<16xi32>
    %le3A_769 = vector.broadcast %add3A_568 : i32 to vector<16xi32>
    %le3A_770 = arith.cmpi sle, %add3A_729, %le3A_769 : vector<16xi32>
    %select_n3A_771 = arith.select %le3A_770, %add3A_731, %add3A_768 : vector<16xi1>, vector<16xi32>
    %lt3A_772 = arith.constant 62 : i32
    %lt3A_773 = vector.broadcast %lt3A_772 : i32 to vector<16xi32>
    %lt3A_774 = arith.cmpi slt, %add3A_729, %lt3A_773 : vector<16xi32>
    %lt3A_775 = arith.constant 62 : i32
    %lt3A_776 = arith.cmpi slt, %add3A_568, %lt3A_775 : i32
    %and3A_777 = vector.broadcast %lt3A_776 : i1 to vector<16xi1>
    %and3A_778 = arith.andi %lt3A_774, %and3A_777 : vector<16xi1>
    %jit3A_779 = arith.constant 0 : i32
    %broadcast_in_dim3A_780 = vector.broadcast %jit3A_779 : i32 to vector<16xi32>
    %select_n3A_781 = arith.select %and3A_778, %select_n3A_771, %broadcast_in_dim3A_780 : vector<16xi1>, vector<16xi32>
    %gather3A_782 = tpu.vector_load_idx %arg4[%select_n3A_781] : memref<1953xf32, #tpu.memory_space<vmem>>[vector<16xi32>], vector<16xf32>,
    %max3A_783 = arith.constant 0.000000e+00 : f32
    %max3A_784 = vector.broadcast %max3A_783 : f32 to vector<16xf32>
    %max3A_785 = arith.maximumf %gather3A_782, %max3A_784 : vector<16xf32>
    %jit3A_786 = arith.constant 0.000000e+00 : f32
    %broadcast_in_dim3A_787 = vector.broadcast %jit3A_786 : f32 to vector<16xf32>
    %select_n3A_788 = arith.select %and3A_778, %max3A_785, %broadcast_in_dim3A_787 : vector<16xi1>, vector<16xf32>
    %swap3A_789 = arith.constant 160 : index
    %swap3A_790 = tpu.vector_load %arg5[%swap3A_789] {strides = array<i32>} : memref<256xf32, #tpu.memory_space<vmem>>, vector<16xf32>,
    tpu.vector_store %arg5[%swap3A_789], %select_n3A_788 {strides = array<i32>} : memref<256xf32, #tpu.memory_space<vmem>>, vector<16xf32>,
    %iota3A_791 = tpu.iota {dimensions = array<i32: 0>} : vector<16xi32>
    %add3A_792 = arith.constant 48 : i32
    %add3A_793 = vector.broadcast %add3A_792 : i32 to vector<16xi32>
    %add3A_794 = arith.addi %iota3A_791, %add3A_793 : vector<16xi32>
    %add3A_795 = vector.broadcast %select_n3A_595 : i32 to vector<16xi32>
    %add3A_796 = arith.addi %add3A_795, %add3A_794 : vector<16xi32>
    %add3A_797 = arith.constant 1 : i32
    %add3A_798 = vector.broadcast %add3A_797 : i32 to vector<16xi32>
    %add3A_799 = arith.addi %add3A_794, %add3A_798 : vector<16xi32>
    %mul3A_800 = arith.muli %add3A_794, %add3A_799 : vector<16xi32>
    %jit3A_801 = arith.constant 2 : i32
    %div3A_802 = vector.broadcast %jit3A_801 : i32 to vector<16xi32>
    %div3A_803 = arith.divsi %mul3A_800, %div3A_802 : vector<16xi32>
    %sign3A_804 = arith.constant 0 : i32
    %sign3A_805 = vector.broadcast %sign3A_804 : i32 to vector<16xi32>
    %sign3A_806 = arith.cmpi sgt, %mul3A_800, %sign3A_805 : vector<16xi32>
    %sign3A_807 = arith.extui %sign3A_806 : vector<16xi1> to vector<16xi32>
    %sign3A_808 = arith.constant 0 : i32
    %sign3A_809 = vector.broadcast %sign3A_808 : i32 to vector<16xi32>
    %sign3A_810 = arith.cmpi slt, %mul3A_800, %sign3A_809 : vector<16xi32>
    %sign3A_811 = arith.extui %sign3A_810 : vector<16xi1> to vector<16xi32>
    %sign3A_812 = arith.subi %sign3A_807, %sign3A_811 : vector<16xi32>
    %sign3A_813 = arith.constant 0 : i32
    %sign3A_814 = arith.cmpi sgt, %jit3A_801, %sign3A_813 : i32
    %sign3A_815 = arith.extui %sign3A_814 : i1 to i32
    %sign3A_816 = arith.constant 0 : i32
    %sign3A_817 = arith.cmpi slt, %jit3A_801, %sign3A_816 : i32
    %sign3A_818 = arith.extui %sign3A_817 : i1 to i32
    %sign3A_819 = arith.subi %sign3A_815, %sign3A_818 : i32
    %ne3A_820 = vector.broadcast %sign3A_819 : i32 to vector<16xi32>
    %ne3A_821 = arith.cmpi ne, %sign3A_812, %ne3A_820 : vector<16xi32>
    %rem3A_822 = vector.broadcast %jit3A_801 : i32 to vector<16xi32>
    %rem3A_823 = arith.remsi %mul3A_800, %rem3A_822 : vector<16xi32>
    %ne3A_824 = arith.constant 0 : i32
    %ne3A_825 = vector.broadcast %ne3A_824 : i32 to vector<16xi32>
    %ne3A_826 = arith.cmpi ne, %rem3A_823, %ne3A_825 : vector<16xi32>
    %and3A_827 = arith.andi %ne3A_821, %ne3A_826 : vector<16xi1>
    %sub3A_828 = arith.constant 1 : i32
    %sub3A_829 = vector.broadcast %sub3A_828 : i32 to vector<16xi32>
    %sub3A_830 = arith.subi %div3A_803, %sub3A_829 : vector<16xi32>
    %select_n3A_831 = arith.select %and3A_827, %sub3A_830, %div3A_803 : vector<16xi1>, vector<16xi32>
    %add3A_832 = vector.broadcast %add3A_568 : i32 to vector<16xi32>
    %add3A_833 = arith.addi %select_n3A_831, %add3A_832 : vector<16xi32>
    %le3A_834 = vector.broadcast %add3A_568 : i32 to vector<16xi32>
    %le3A_835 = arith.cmpi sle, %add3A_794, %le3A_834 : vector<16xi32>
    %select_n3A_836 = arith.select %le3A_835, %add3A_796, %add3A_833 : vector<16xi1>, vector<16xi32>
    %lt3A_837 = arith.constant 62 : i32
    %lt3A_838 = vector.broadcast %lt3A_837 : i32 to vector<16xi32>
    %lt3A_839 = arith.cmpi slt, %add3A_794, %lt3A_838 : vector<16xi32>
    %lt3A_840 = arith.constant 62 : i32
    %lt3A_841 = arith.cmpi slt, %add3A_568, %lt3A_840 : i32
    %and3A_842 = vector.broadcast %lt3A_841 : i1 to vector<16xi1>
    %and3A_843 = arith.andi %lt3A_839, %and3A_842 : vector<16xi1>
    %jit3A_844 = arith.constant 0 : i32
    %broadcast_in_dim3A_845 = vector.broadcast %jit3A_844 : i32 to vector<16xi32>
    %select_n3A_846 = arith.select %and3A_843, %select_n3A_836, %broadcast_in_dim3A_845 : vector<16xi1>, vector<16xi32>
    %gather3A_847 = tpu.vector_load_idx %arg4[%select_n3A_846] : memref<1953xf32, #tpu.memory_space<vmem>>[vector<16xi32>], vector<16xf32>,
    %max3A_848 = arith.constant 0.000000e+00 : f32
    %max3A_849 = vector.broadcast %max3A_848 : f32 to vector<16xf32>
    %max3A_850 = arith.maximumf %gather3A_847, %max3A_849 : vector<16xf32>
    %jit3A_851 = arith.constant 0.000000e+00 : f32
    %broadcast_in_dim3A_852 = vector.broadcast %jit3A_851 : f32 to vector<16xf32>
    %select_n3A_853 = arith.select %and3A_843, %max3A_850, %broadcast_in_dim3A_852 : vector<16xi1>, vector<16xf32>
    %swap3A_854 = arith.constant 176 : index
    %swap3A_855 = tpu.vector_load %arg5[%swap3A_854] {strides = array<i32>} : memref<256xf32, #tpu.memory_space<vmem>>, vector<16xf32>,
    tpu.vector_store %arg5[%swap3A_854], %select_n3A_853 {strides = array<i32>} : memref<256xf32, #tpu.memory_space<vmem>>, vector<16xf32>,
    %mul3A_856 = arith.constant 4 : i32
    %mul3A_857 = arith.muli %arg1, %mul3A_856 : i32
    %add3A_858 = arith.constant 3 : i32
    %add3A_859 = arith.addi %mul3A_857, %add3A_858 : i32
    %add3A_860 = arith.constant 1 : i32
    %add3A_861 = arith.addi %add3A_859, %add3A_860 : i32
    %mul3A_862 = arith.muli %add3A_859, %add3A_861 : i32
    %jit3A_863 = arith.constant 2 : i32
    %div3A_864 = arith.divsi %mul3A_862, %jit3A_863 : i32
    %sign3A_865 = arith.constant 0 : i32
    %sign3A_866 = arith.cmpi sgt, %mul3A_862, %sign3A_865 : i32
    %sign3A_867 = arith.extui %sign3A_866 : i1 to i32
    %sign3A_868 = arith.constant 0 : i32
    %sign3A_869 = arith.cmpi slt, %mul3A_862, %sign3A_868 : i32
    %sign3A_870 = arith.extui %sign3A_869 : i1 to i32
    %sign3A_871 = arith.subi %sign3A_867, %sign3A_870 : i32
    %sign3A_872 = arith.constant 0 : i32
    %sign3A_873 = arith.cmpi sgt, %jit3A_863, %sign3A_872 : i32
    %sign3A_874 = arith.extui %sign3A_873 : i1 to i32
    %sign3A_875 = arith.constant 0 : i32
    %sign3A_876 = arith.cmpi slt, %jit3A_863, %sign3A_875 : i32
    %sign3A_877 = arith.extui %sign3A_876 : i1 to i32
    %sign3A_878 = arith.subi %sign3A_874, %sign3A_877 : i32
    %ne3A_879 = arith.cmpi ne, %sign3A_871, %sign3A_878 : i32
    %rem3A_880 = arith.remsi %mul3A_862, %jit3A_863 : i32
    %ne3A_881 = arith.constant 0 : i32
    %ne3A_882 = arith.cmpi ne, %rem3A_880, %ne3A_881 : i32
    %and3A_883 = arith.andi %ne3A_879, %ne3A_882 : i1
    %sub3A_884 = arith.constant 1 : i32
    %sub3A_885 = arith.subi %div3A_864, %sub3A_884 : i32
    %select_n3A_886 = arith.select %and3A_883, %sub3A_885, %div3A_864 : i32
    %iota3A_887 = tpu.iota {dimensions = array<i32: 0>} : vector<16xi32>
    %add3A_888 = arith.constant 0 : i32
    %add3A_889 = vector.broadcast %add3A_888 : i32 to vector<16xi32>
    %add3A_890 = arith.addi %iota3A_887, %add3A_889 : vector<16xi32>
    %add3A_891 = vector.broadcast %select_n3A_886 : i32 to vector<16xi32>
    %add3A_892 = arith.addi %add3A_891, %add3A_890 : vector<16xi32>
    %add3A_893 = arith.constant 1 : i32
    %add3A_894 = vector.broadcast %add3A_893 : i32 to vector<16xi32>
    %add3A_895 = arith.addi %add3A_890, %add3A_894 : vector<16xi32>
    %mul3A_896 = arith.muli %add3A_890, %add3A_895 : vector<16xi32>
    %jit3A_897 = arith.constant 2 : i32
    %div3A_898 = vector.broadcast %jit3A_897 : i32 to vector<16xi32>
    %div3A_899 = arith.divsi %mul3A_896, %div3A_898 : vector<16xi32>
    %sign3A_900 = arith.constant 0 : i32
    %sign3A_901 = vector.broadcast %sign3A_900 : i32 to vector<16xi32>
    %sign3A_902 = arith.cmpi sgt, %mul3A_896, %sign3A_901 : vector<16xi32>
    %sign3A_903 = arith.extui %sign3A_902 : vector<16xi1> to vector<16xi32>
    %sign3A_904 = arith.constant 0 : i32
    %sign3A_905 = vector.broadcast %sign3A_904 : i32 to vector<16xi32>
    %sign3A_906 = arith.cmpi slt, %mul3A_896, %sign3A_905 : vector<16xi32>
    %sign3A_907 = arith.extui %sign3A_906 : vector<16xi1> to vector<16xi32>
    %sign3A_908 = arith.subi %sign3A_903, %sign3A_907 : vector<16xi32>
    %sign3A_909 = arith.constant 0 : i32
    %sign3A_910 = arith.cmpi sgt, %jit3A_897, %sign3A_909 : i32
    %sign3A_911 = arith.extui %sign3A_910 : i1 to i32
    %sign3A_912 = arith.constant 0 : i32
    %sign3A_913 = arith.cmpi slt, %jit3A_897, %sign3A_912 : i32
    %sign3A_914 = arith.extui %sign3A_913 : i1 to i32
    %sign3A_915 = arith.subi %sign3A_911, %sign3A_914 : i32
    %ne3A_916 = vector.broadcast %sign3A_915 : i32 to vector<16xi32>
    %ne3A_917 = arith.cmpi ne, %sign3A_908, %ne3A_916 : vector<16xi32>
    %rem3A_918 = vector.broadcast %jit3A_897 : i32 to vector<16xi32>
    %rem3A_919 = arith.remsi %mul3A_896, %rem3A_918 : vector<16xi32>
    %ne3A_920 = arith.constant 0 : i32
    %ne3A_921 = vector.broadcast %ne3A_920 : i32 to vector<16xi32>
    %ne3A_922 = arith.cmpi ne, %rem3A_919, %ne3A_921 : vector<16xi32>
    %and3A_923 = arith.andi %ne3A_917, %ne3A_922 : vector<16xi1>
    %sub3A_924 = arith.constant 1 : i32
    %sub3A_925 = vector.broadcast %sub3A_924 : i32 to vector<16xi32>
    %sub3A_926 = arith.subi %div3A_899, %sub3A_925 : vector<16xi32>
    %select_n3A_927 = arith.select %and3A_923, %sub3A_926, %div3A_899 : vector<16xi1>, vector<16xi32>
    %add3A_928 = vector.broadcast %add3A_859 : i32 to vector<16xi32>
    %add3A_929 = arith.addi %select_n3A_927, %add3A_928 : vector<16xi32>
    %le3A_930 = vector.broadcast %add3A_859 : i32 to vector<16xi32>
    %le3A_931 = arith.cmpi sle, %add3A_890, %le3A_930 : vector<16xi32>
    %select_n3A_932 = arith.select %le3A_931, %add3A_892, %add3A_929 : vector<16xi1>, vector<16xi32>
    %lt3A_933 = arith.constant 62 : i32
    %lt3A_934 = vector.broadcast %lt3A_933 : i32 to vector<16xi32>
    %lt3A_935 = arith.cmpi slt, %add3A_890, %lt3A_934 : vector<16xi32>
    %lt3A_936 = arith.constant 62 : i32
    %lt3A_937 = arith.cmpi slt, %add3A_859, %lt3A_936 : i32
    %and3A_938 = vector.broadcast %lt3A_937 : i1 to vector<16xi1>
    %and3A_939 = arith.andi %lt3A_935, %and3A_938 : vector<16xi1>
    %jit3A_940 = arith.constant 0 : i32
    %broadcast_in_dim3A_941 = vector.broadcast %jit3A_940 : i32 to vector<16xi32>
    %select_n3A_942 = arith.select %and3A_939, %select_n3A_932, %broadcast_in_dim3A_941 : vector<16xi1>, vector<16xi32>
    %gather3A_943 = tpu.vector_load_idx %arg4[%select_n3A_942] : memref<1953xf32, #tpu.memory_space<vmem>>[vector<16xi32>], vector<16xf32>,
    %max3A_944 = arith.constant 0.000000e+00 : f32
    %max3A_945 = vector.broadcast %max3A_944 : f32 to vector<16xf32>
    %max3A_946 = arith.maximumf %gather3A_943, %max3A_945 : vector<16xf32>
    %jit3A_947 = arith.constant 0.000000e+00 : f32
    %broadcast_in_dim3A_948 = vector.broadcast %jit3A_947 : f32 to vector<16xf32>
    %select_n3A_949 = arith.select %and3A_939, %max3A_946, %broadcast_in_dim3A_948 : vector<16xi1>, vector<16xf32>
    %swap3A_950 = arith.constant 192 : index
    %swap3A_951 = tpu.vector_load %arg5[%swap3A_950] {strides = array<i32>} : memref<256xf32, #tpu.memory_space<vmem>>, vector<16xf32>,
    tpu.vector_store %arg5[%swap3A_950], %select_n3A_949 {strides = array<i32>} : memref<256xf32, #tpu.memory_space<vmem>>, vector<16xf32>,
    %iota3A_952 = tpu.iota {dimensions = array<i32: 0>} : vector<16xi32>
    %add3A_953 = arith.constant 16 : i32
    %add3A_954 = vector.broadcast %add3A_953 : i32 to vector<16xi32>
    %add3A_955 = arith.addi %iota3A_952, %add3A_954 : vector<16xi32>
    %add3A_956 = vector.broadcast %select_n3A_886 : i32 to vector<16xi32>
    %add3A_957 = arith.addi %add3A_956, %add3A_955 : vector<16xi32>
    %add3A_958 = arith.constant 1 : i32
    %add3A_959 = vector.broadcast %add3A_958 : i32 to vector<16xi32>
    %add3A_960 = arith.addi %add3A_955, %add3A_959 : vector<16xi32>
    %mul3A_961 = arith.muli %add3A_955, %add3A_960 : vector<16xi32>
    %jit3A_962 = arith.constant 2 : i32
    %div3A_963 = vector.broadcast %jit3A_962 : i32 to vector<16xi32>
    %div3A_964 = arith.divsi %mul3A_961, %div3A_963 : vector<16xi32>
    %sign3A_965 = arith.constant 0 : i32
    %sign3A_966 = vector.broadcast %sign3A_965 : i32 to vector<16xi32>
    %sign3A_967 = arith.cmpi sgt, %mul3A_961, %sign3A_966 : vector<16xi32>
    %sign3A_968 = arith.extui %sign3A_967 : vector<16xi1> to vector<16xi32>
    %sign3A_969 = arith.constant 0 : i32
    %sign3A_970 = vector.broadcast %sign3A_969 : i32 to vector<16xi32>
    %sign3A_971 = arith.cmpi slt, %mul3A_961, %sign3A_970 : vector<16xi32>
    %sign3A_972 = arith.extui %sign3A_971 : vector<16xi1> to vector<16xi32>
    %sign3A_973 = arith.subi %sign3A_968, %sign3A_972 : vector<16xi32>
    %sign3A_974 = arith.constant 0 : i32
    %sign3A_975 = arith.cmpi sgt, %jit3A_962, %sign3A_974 : i32
    %sign3A_976 = arith.extui %sign3A_975 : i1 to i32
    %sign3A_977 = arith.constant 0 : i32
    %sign3A_978 = arith.cmpi slt, %jit3A_962, %sign3A_977 : i32
    %sign3A_979 = arith.extui %sign3A_978 : i1 to i32
    %sign3A_980 = arith.subi %sign3A_976, %sign3A_979 : i32
    %ne3A_981 = vector.broadcast %sign3A_980 : i32 to vector<16xi32>
    %ne3A_982 = arith.cmpi ne, %sign3A_973, %ne3A_981 : vector<16xi32>
    %rem3A_983 = vector.broadcast %jit3A_962 : i32 to vector<16xi32>
    %rem3A_984 = arith.remsi %mul3A_961, %rem3A_983 : vector<16xi32>
    %ne3A_985 = arith.constant 0 : i32
    %ne3A_986 = vector.broadcast %ne3A_985 : i32 to vector<16xi32>
    %ne3A_987 = arith.cmpi ne, %rem3A_984, %ne3A_986 : vector<16xi32>
    %and3A_988 = arith.andi %ne3A_982, %ne3A_987 : vector<16xi1>
    %sub3A_989 = arith.constant 1 : i32
    %sub3A_990 = vector.broadcast %sub3A_989 : i32 to vector<16xi32>
    %sub3A_991 = arith.subi %div3A_964, %sub3A_990 : vector<16xi32>
    %select_n3A_992 = arith.select %and3A_988, %sub3A_991, %div3A_964 : vector<16xi1>, vector<16xi32>
    %add3A_993 = vector.broadcast %add3A_859 : i32 to vector<16xi32>
    %add3A_994 = arith.addi %select_n3A_992, %add3A_993 : vector<16xi32>
    %le3A_995 = vector.broadcast %add3A_859 : i32 to vector<16xi32>
    %le3A_996 = arith.cmpi sle, %add3A_955, %le3A_995 : vector<16xi32>
    %select_n3A_997 = arith.select %le3A_996, %add3A_957, %add3A_994 : vector<16xi1>, vector<16xi32>
    %lt3A_998 = arith.constant 62 : i32
    %lt3A_999 = vector.broadcast %lt3A_998 : i32 to vector<16xi32>
    %lt3A_1000 = arith.cmpi slt, %add3A_955, %lt3A_999 : vector<16xi32>
    %lt3A_1001 = arith.constant 62 : i32
    %lt3A_1002 = arith.cmpi slt, %add3A_859, %lt3A_1001 : i32
    %and3A_1003 = vector.broadcast %lt3A_1002 : i1 to vector<16xi1>
    %and3A_1004 = arith.andi %lt3A_1000, %and3A_1003 : vector<16xi1>
    %jit3A_1005 = arith.constant 0 : i32
    %broadcast_in_dim3A_1006 = vector.broadcast %jit3A_1005 : i32 to vector<16xi32>
    %select_n3A_1007 = arith.select %and3A_1004, %select_n3A_997, %broadcast_in_dim3A_1006 : vector<16xi1>, vector<16xi32>
    %gather3A_1008 = tpu.vector_load_idx %arg4[%select_n3A_1007] : memref<1953xf32, #tpu.memory_space<vmem>>[vector<16xi32>], vector<16xf32>,
    %max3A_1009 = arith.constant 0.000000e+00 : f32
    %max3A_1010 = vector.broadcast %max3A_1009 : f32 to vector<16xf32>
    %max3A_1011 = arith.maximumf %gather3A_1008, %max3A_1010 : vector<16xf32>
    %jit3A_1012 = arith.constant 0.000000e+00 : f32
    %broadcast_in_dim3A_1013 = vector.broadcast %jit3A_1012 : f32 to vector<16xf32>
    %select_n3A_1014 = arith.select %and3A_1004, %max3A_1011, %broadcast_in_dim3A_1013 : vector<16xi1>, vector<16xf32>
    %swap3A_1015 = arith.constant 208 : index
    %swap3A_1016 = tpu.vector_load %arg5[%swap3A_1015] {strides = array<i32>} : memref<256xf32, #tpu.memory_space<vmem>>, vector<16xf32>,
    tpu.vector_store %arg5[%swap3A_1015], %select_n3A_1014 {strides = array<i32>} : memref<256xf32, #tpu.memory_space<vmem>>, vector<16xf32>,
    %iota3A_1017 = tpu.iota {dimensions = array<i32: 0>} : vector<16xi32>
    %add3A_1018 = arith.constant 32 : i32
    %add3A_1019 = vector.broadcast %add3A_1018 : i32 to vector<16xi32>
    %add3A_1020 = arith.addi %iota3A_1017, %add3A_1019 : vector<16xi32>
    %add3A_1021 = vector.broadcast %select_n3A_886 : i32 to vector<16xi32>
    %add3A_1022 = arith.addi %add3A_1021, %add3A_1020 : vector<16xi32>
    %add3A_1023 = arith.constant 1 : i32
    %add3A_1024 = vector.broadcast %add3A_1023 : i32 to vector<16xi32>
    %add3A_1025 = arith.addi %add3A_1020, %add3A_1024 : vector<16xi32>
    %mul3A_1026 = arith.muli %add3A_1020, %add3A_1025 : vector<16xi32>
    %jit3A_1027 = arith.constant 2 : i32
    %div3A_1028 = vector.broadcast %jit3A_1027 : i32 to vector<16xi32>
    %div3A_1029 = arith.divsi %mul3A_1026, %div3A_1028 : vector<16xi32>
    %sign3A_1030 = arith.constant 0 : i32
    %sign3A_1031 = vector.broadcast %sign3A_1030 : i32 to vector<16xi32>
    %sign3A_1032 = arith.cmpi sgt, %mul3A_1026, %sign3A_1031 : vector<16xi32>
    %sign3A_1033 = arith.extui %sign3A_1032 : vector<16xi1> to vector<16xi32>
    %sign3A_1034 = arith.constant 0 : i32
    %sign3A_1035 = vector.broadcast %sign3A_1034 : i32 to vector<16xi32>
    %sign3A_1036 = arith.cmpi slt, %mul3A_1026, %sign3A_1035 : vector<16xi32>
    %sign3A_1037 = arith.extui %sign3A_1036 : vector<16xi1> to vector<16xi32>
    %sign3A_1038 = arith.subi %sign3A_1033, %sign3A_1037 : vector<16xi32>
    %sign3A_1039 = arith.constant 0 : i32
    %sign3A_1040 = arith.cmpi sgt, %jit3A_1027, %sign3A_1039 : i32
    %sign3A_1041 = arith.extui %sign3A_1040 : i1 to i32
    %sign3A_1042 = arith.constant 0 : i32
    %sign3A_1043 = arith.cmpi slt, %jit3A_1027, %sign3A_1042 : i32
    %sign3A_1044 = arith.extui %sign3A_1043 : i1 to i32
    %sign3A_1045 = arith.subi %sign3A_1041, %sign3A_1044 : i32
    %ne3A_1046 = vector.broadcast %sign3A_1045 : i32 to vector<16xi32>
    %ne3A_1047 = arith.cmpi ne, %sign3A_1038, %ne3A_1046 : vector<16xi32>
    %rem3A_1048 = vector.broadcast %jit3A_1027 : i32 to vector<16xi32>
    %rem3A_1049 = arith.remsi %mul3A_1026, %rem3A_1048 : vector<16xi32>
    %ne3A_1050 = arith.constant 0 : i32
    %ne3A_1051 = vector.broadcast %ne3A_1050 : i32 to vector<16xi32>
    %ne3A_1052 = arith.cmpi ne, %rem3A_1049, %ne3A_1051 : vector<16xi32>
    %and3A_1053 = arith.andi %ne3A_1047, %ne3A_1052 : vector<16xi1>
    %sub3A_1054 = arith.constant 1 : i32
    %sub3A_1055 = vector.broadcast %sub3A_1054 : i32 to vector<16xi32>
    %sub3A_1056 = arith.subi %div3A_1029, %sub3A_1055 : vector<16xi32>
    %select_n3A_1057 = arith.select %and3A_1053, %sub3A_1056, %div3A_1029 : vector<16xi1>, vector<16xi32>
    %add3A_1058 = vector.broadcast %add3A_859 : i32 to vector<16xi32>
    %add3A_1059 = arith.addi %select_n3A_1057, %add3A_1058 : vector<16xi32>
    %le3A_1060 = vector.broadcast %add3A_859 : i32 to vector<16xi32>
    %le3A_1061 = arith.cmpi sle, %add3A_1020, %le3A_1060 : vector<16xi32>
    %select_n3A_1062 = arith.select %le3A_1061, %add3A_1022, %add3A_1059 : vector<16xi1>, vector<16xi32>
    %lt3A_1063 = arith.constant 62 : i32
    %lt3A_1064 = vector.broadcast %lt3A_1063 : i32 to vector<16xi32>
    %lt3A_1065 = arith.cmpi slt, %add3A_1020, %lt3A_1064 : vector<16xi32>
    %lt3A_1066 = arith.constant 62 : i32
    %lt3A_1067 = arith.cmpi slt, %add3A_859, %lt3A_1066 : i32
    %and3A_1068 = vector.broadcast %lt3A_1067 : i1 to vector<16xi1>
    %and3A_1069 = arith.andi %lt3A_1065, %and3A_1068 : vector<16xi1>
    %jit3A_1070 = arith.constant 0 : i32
    %broadcast_in_dim3A_1071 = vector.broadcast %jit3A_1070 : i32 to vector<16xi32>
    %select_n3A_1072 = arith.select %and3A_1069, %select_n3A_1062, %broadcast_in_dim3A_1071 : vector<16xi1>, vector<16xi32>
    %gather3A_1073 = tpu.vector_load_idx %arg4[%select_n3A_1072] : memref<1953xf32, #tpu.memory_space<vmem>>[vector<16xi32>], vector<16xf32>,
    %max3A_1074 = arith.constant 0.000000e+00 : f32
    %max3A_1075 = vector.broadcast %max3A_1074 : f32 to vector<16xf32>
    %max3A_1076 = arith.maximumf %gather3A_1073, %max3A_1075 : vector<16xf32>
    %jit3A_1077 = arith.constant 0.000000e+00 : f32
    %broadcast_in_dim3A_1078 = vector.broadcast %jit3A_1077 : f32 to vector<16xf32>
    %select_n3A_1079 = arith.select %and3A_1069, %max3A_1076, %broadcast_in_dim3A_1078 : vector<16xi1>, vector<16xf32>
    %swap3A_1080 = arith.constant 224 : index
    %swap3A_1081 = tpu.vector_load %arg5[%swap3A_1080] {strides = array<i32>} : memref<256xf32, #tpu.memory_space<vmem>>, vector<16xf32>,
    tpu.vector_store %arg5[%swap3A_1080], %select_n3A_1079 {strides = array<i32>} : memref<256xf32, #tpu.memory_space<vmem>>, vector<16xf32>,
    %iota3A_1082 = tpu.iota {dimensions = array<i32: 0>} : vector<16xi32>
    %add3A_1083 = arith.constant 48 : i32
    %add3A_1084 = vector.broadcast %add3A_1083 : i32 to vector<16xi32>
    %add3A_1085 = arith.addi %iota3A_1082, %add3A_1084 : vector<16xi32>
    %add3A_1086 = vector.broadcast %select_n3A_886 : i32 to vector<16xi32>
    %add3A_1087 = arith.addi %add3A_1086, %add3A_1085 : vector<16xi32>
    %add3A_1088 = arith.constant 1 : i32
    %add3A_1089 = vector.broadcast %add3A_1088 : i32 to vector<16xi32>
    %add3A_1090 = arith.addi %add3A_1085, %add3A_1089 : vector<16xi32>
    %mul3A_1091 = arith.muli %add3A_1085, %add3A_1090 : vector<16xi32>
    %jit3A_1092 = arith.constant 2 : i32
    %div3A_1093 = vector.broadcast %jit3A_1092 : i32 to vector<16xi32>
    %div3A_1094 = arith.divsi %mul3A_1091, %div3A_1093 : vector<16xi32>
    %sign3A_1095 = arith.constant 0 : i32
    %sign3A_1096 = vector.broadcast %sign3A_1095 : i32 to vector<16xi32>
    %sign3A_1097 = arith.cmpi sgt, %mul3A_1091, %sign3A_1096 : vector<16xi32>
    %sign3A_1098 = arith.extui %sign3A_1097 : vector<16xi1> to vector<16xi32>
    %sign3A_1099 = arith.constant 0 : i32
    %sign3A_1100 = vector.broadcast %sign3A_1099 : i32 to vector<16xi32>
    %sign3A_1101 = arith.cmpi slt, %mul3A_1091, %sign3A_1100 : vector<16xi32>
    %sign3A_1102 = arith.extui %sign3A_1101 : vector<16xi1> to vector<16xi32>
    %sign3A_1103 = arith.subi %sign3A_1098, %sign3A_1102 : vector<16xi32>
    %sign3A_1104 = arith.constant 0 : i32
    %sign3A_1105 = arith.cmpi sgt, %jit3A_1092, %sign3A_1104 : i32
    %sign3A_1106 = arith.extui %sign3A_1105 : i1 to i32
    %sign3A_1107 = arith.constant 0 : i32
    %sign3A_1108 = arith.cmpi slt, %jit3A_1092, %sign3A_1107 : i32
    %sign3A_1109 = arith.extui %sign3A_1108 : i1 to i32
    %sign3A_1110 = arith.subi %sign3A_1106, %sign3A_1109 : i32
    %ne3A_1111 = vector.broadcast %sign3A_1110 : i32 to vector<16xi32>
    %ne3A_1112 = arith.cmpi ne, %sign3A_1103, %ne3A_1111 : vector<16xi32>
    %rem3A_1113 = vector.broadcast %jit3A_1092 : i32 to vector<16xi32>
    %rem3A_1114 = arith.remsi %mul3A_1091, %rem3A_1113 : vector<16xi32>
    %ne3A_1115 = arith.constant 0 : i32
    %ne3A_1116 = vector.broadcast %ne3A_1115 : i32 to vector<16xi32>
    %ne3A_1117 = arith.cmpi ne, %rem3A_1114, %ne3A_1116 : vector<16xi32>
    %and3A_1118 = arith.andi %ne3A_1112, %ne3A_1117 : vector<16xi1>
    %sub3A_1119 = arith.constant 1 : i32
    %sub3A_1120 = vector.broadcast %sub3A_1119 : i32 to vector<16xi32>
    %sub3A_1121 = arith.subi %div3A_1094, %sub3A_1120 : vector<16xi32>
    %select_n3A_1122 = arith.select %and3A_1118, %sub3A_1121, %div3A_1094 : vector<16xi1>, vector<16xi32>
    %add3A_1123 = vector.broadcast %add3A_859 : i32 to vector<16xi32>
    %add3A_1124 = arith.addi %select_n3A_1122, %add3A_1123 : vector<16xi32>
    %le3A_1125 = vector.broadcast %add3A_859 : i32 to vector<16xi32>
    %le3A_1126 = arith.cmpi sle, %add3A_1085, %le3A_1125 : vector<16xi32>
    %select_n3A_1127 = arith.select %le3A_1126, %add3A_1087, %add3A_1124 : vector<16xi1>, vector<16xi32>
    %lt3A_1128 = arith.constant 62 : i32
    %lt3A_1129 = vector.broadcast %lt3A_1128 : i32 to vector<16xi32>
    %lt3A_1130 = arith.cmpi slt, %add3A_1085, %lt3A_1129 : vector<16xi32>
    %lt3A_1131 = arith.constant 62 : i32
    %lt3A_1132 = arith.cmpi slt, %add3A_859, %lt3A_1131 : i32
    %and3A_1133 = vector.broadcast %lt3A_1132 : i1 to vector<16xi1>
    %and3A_1134 = arith.andi %lt3A_1130, %and3A_1133 : vector<16xi1>
    %jit3A_1135 = arith.constant 0 : i32
    %broadcast_in_dim3A_1136 = vector.broadcast %jit3A_1135 : i32 to vector<16xi32>
    %select_n3A_1137 = arith.select %and3A_1134, %select_n3A_1127, %broadcast_in_dim3A_1136 : vector<16xi1>, vector<16xi32>
    %gather3A_1138 = tpu.vector_load_idx %arg4[%select_n3A_1137] : memref<1953xf32, #tpu.memory_space<vmem>>[vector<16xi32>], vector<16xf32>,
    %max3A_1139 = arith.constant 0.000000e+00 : f32
    %max3A_1140 = vector.broadcast %max3A_1139 : f32 to vector<16xf32>
    %max3A_1141 = arith.maximumf %gather3A_1138, %max3A_1140 : vector<16xf32>
    %jit3A_1142 = arith.constant 0.000000e+00 : f32
    %broadcast_in_dim3A_1143 = vector.broadcast %jit3A_1142 : f32 to vector<16xf32>
    %select_n3A_1144 = arith.select %and3A_1134, %max3A_1141, %broadcast_in_dim3A_1143 : vector<16xi1>, vector<16xf32>
    %swap3A_1145 = arith.constant 240 : index
    %swap3A_1146 = tpu.vector_load %arg5[%swap3A_1145] {strides = array<i32>} : memref<256xf32, #tpu.memory_space<vmem>>, vector<16xf32>,
    tpu.vector_store %arg5[%swap3A_1145], %select_n3A_1144 {strides = array<i32>} : memref<256xf32, #tpu.memory_space<vmem>>, vector<16xf32>,
    %mul3A_1147 = arith.constant 256 : i32
    %mul3A_1148 = arith.muli %arg1, %mul3A_1147 : i32
    "tpu.region"() ({
      %run_scoped3A = tpu.sem_alloc : memref<!tpu.dma_semaphore, #tpu.memory_space<semaphore_mem>>
      %dma_start3A = tpu.memref_slice %arg3[%mul3A_1148] : memref<4096xf32, #tpu.memory_space<hbm>> -> memref<256xf32, #tpu.memory_space<hbm>>
      %dma_start3A_1149 = tpu.memref_slice %arg3[%mul3A_1148] : memref<4096xf32, #tpu.memory_space<hbm>> -> memref<256xf32, #tpu.memory_space<hbm>>
      tpu.enqueue_dma source(%arg5 : memref<256xf32, #tpu.memory_space<vmem>>) target(%dma_start3A_1149 : memref<256xf32, #tpu.memory_space<hbm>>) target_semaphore(%run_scoped3A : memref<!tpu.dma_semaphore, #tpu.memory_space<semaphore_mem>>)
      %dma_wait3A = tpu.memref_slice %arg3[%mul3A_1148] : memref<4096xf32, #tpu.memory_space<hbm>> -> memref<256xf32, #tpu.memory_space<hbm>>
      %dma_wait3A_1150 = tpu.memref_slice %arg3[%mul3A_1148] : memref<4096xf32, #tpu.memory_space<hbm>> -> memref<256xf32, #tpu.memory_space<hbm>>
      tpu.wait_dma2 semaphore(%run_scoped3A : memref<!tpu.dma_semaphore, #tpu.memory_space<semaphore_mem>>) src(%arg5 : memref<256xf32, #tpu.memory_space<vmem>>) dst(%dma_wait3A_1150 : memref<256xf32, #tpu.memory_space<hbm>>)
      tpu.yield
    }) : () -> ()
    return
  }
}

module attributes {stable_mosaic.version = 14 : i64} {
  func.func @_fused_kernel(%arg0: i32, %arg1: memref<64x64xf32, #tpu.memory_space<vmem>>, %arg2: memref<64x320xf32, #tpu.memory_space<vmem>>, %arg3: memref<320x64xf32, #tpu.memory_space<vmem>>, %arg4: memref<320x320xf32, #tpu.memory_space<vmem>>, %arg5: memref<320x64xf32, #tpu.memory_space<vmem>>, %arg6: memref<320x1xf32, #tpu.memory_space<vmem>>, %arg7: memref<1x320xf32, #tpu.memory_space<vmem>>, %arg8: memref<1x64xf32, #tpu.memory_space<vmem>>, %arg9: memref<1024x310xf32, #tpu.memory_space<vmem>>, %arg10: memref<64x3xf32, #tpu.memory_space<vmem>>, %arg11: memref<1x3xf32, #tpu.memory_space<vmem>>, %arg12: memref<1024x3xf32, #tpu.memory_space<vmem>>, %arg13: memref<320x64xf32, #tpu.memory_space<vmem>>, %arg14: memref<1x64xf32, #tpu.memory_space<vmem>>) attributes {dimension_semantics = [#tpu.dimension_semantics<arbitrary>], iteration_bounds = array<i64: 1>, scalar_prefetch = 0 : i64, scratch_operands = 2 : i64, tpu.core_type = #tpu.core_type<tc>, window_params = [{pipeline_mode = #tpu.pipeline_mode<synchronous>, transform_indices = @transform_0, window_bounds = array<i64: 64, 64>}, {pipeline_mode = #tpu.pipeline_mode<synchronous>, transform_indices = @transform_1, window_bounds = array<i64: 64, 320>}, {pipeline_mode = #tpu.pipeline_mode<synchronous>, transform_indices = @transform_2, window_bounds = array<i64: 320, 64>}, {pipeline_mode = #tpu.pipeline_mode<synchronous>, transform_indices = @transform_3, window_bounds = array<i64: 320, 320>}, {pipeline_mode = #tpu.pipeline_mode<synchronous>, transform_indices = @transform_4, window_bounds = array<i64: 320, 64>}, {pipeline_mode = #tpu.pipeline_mode<synchronous>, transform_indices = @transform_5, window_bounds = array<i64: 320, 1>}, {pipeline_mode = #tpu.pipeline_mode<synchronous>, transform_indices = @transform_6, window_bounds = array<i64: 1, 320>}, {pipeline_mode = #tpu.pipeline_mode<synchronous>, transform_indices = @transform_7, window_bounds = array<i64: 1, 64>}, {transform_indices = @transform_8, window_bounds = array<i64: 1024, 310>}, {pipeline_mode = #tpu.pipeline_mode<synchronous>, transform_indices = @transform_9, window_bounds = array<i64: 64, 3>}, {pipeline_mode = #tpu.pipeline_mode<synchronous>, transform_indices = @transform_10, window_bounds = array<i64: 1, 3>}, {transform_indices = @transform_11, window_bounds = array<i64: 1024, 3>}]} {
    %eq3A = arith.constant 0 : i32
    %eq3A_0 = arith.cmpi eq, %arg0, %eq3A : i32
    %convert_element_type3A = arith.extui %eq3A_0 : i1 to i32
    %cond3A = arith.constant 0 : i32
    %cond3A_1 = arith.cmpi ne, %convert_element_type3A, %cond3A : i32
    scf.if %cond3A_1 {
      %get3A_26 = arith.constant 0 : index
      %get3A_27 = arith.constant 0 : index
      %get3A_28 = vector.load %arg1[%get3A_26, %get3A_27] : memref<64x64xf32, #tpu.memory_space<vmem>>, vector<64x64xf32>
      %iota3A = tpu.iota {dimensions = array<i32: 0>} : vector<64x64xi32>
      %iota3A_29 = tpu.iota {dimensions = array<i32: 1>} : vector<64x64xi32>
      %eq3A_30 = arith.cmpi eq, %iota3A, %iota3A_29 : vector<64x64xi32>
      %convert_element_type3A_31 = arith.extui %eq3A_30 : vector<64x64xi1> to vector<64x64xi32>
      %convert_element_type3A_32 = arith.sitofp %convert_element_type3A_31 : vector<64x64xi32> to vector<64x64xf32>
      %reduce_sum3A = arith.constant dense<0.000000e+00> : vector<64xf32>
      %reduce_sum3A_33 = vector.multi_reduction <add>, %get3A_28, %reduce_sum3A [1] : vector<64x64xf32> to vector<64xf32>
      %broadcast_in_dim3A = vector.shape_cast %reduce_sum3A_33 : vector<64xf32> to vector<64x1xf32>
      %reduce_sum3A_34 = arith.constant dense<0.000000e+00> : vector<64xf32>
      %reduce_sum3A_35 = vector.multi_reduction <add>, %get3A_28, %reduce_sum3A_34 [0] : vector<64x64xf32> to vector<64xf32>
      %broadcast_in_dim3A_36 = vector.shape_cast %reduce_sum3A_35 : vector<64xf32> to vector<1x64xf32>
      %add3A_37 = arith.constant 1.000000e-10 : f32
      %add3A_38 = vector.broadcast %add3A_37 : f32 to vector<64x1xf32>
      %add3A_39 = arith.addf %broadcast_in_dim3A, %add3A_38 : vector<64x1xf32>
      %rsqrt3A = math.rsqrt %add3A_39 : vector<64x1xf32>
      %mul3A = vector.broadcast %rsqrt3A : vector<64x1xf32> to vector<64x64xf32>
      %mul3A_40 = arith.mulf %get3A_28, %mul3A : vector<64x64xf32>
      %add3A_41 = arith.constant 1.000000e-10 : f32
      %add3A_42 = vector.broadcast %add3A_41 : f32 to vector<1x64xf32>
      %add3A_43 = arith.addf %broadcast_in_dim3A_36, %add3A_42 : vector<1x64xf32>
      %rsqrt3A_44 = math.rsqrt %add3A_43 : vector<1x64xf32>
      %mul3A_45 = vector.broadcast %rsqrt3A_44 : vector<1x64xf32> to vector<64x64xf32>
      %mul3A_46 = arith.mulf %mul3A_40, %mul3A_45 : vector<64x64xf32>
      %abs3A = math.absf %mul3A_46 : vector<64x64xf32>
      %reduce_sum3A_47 = arith.constant dense<0.000000e+00> : vector<64xf32>
      %reduce_sum3A_48 = vector.multi_reduction <add>, %abs3A, %reduce_sum3A_47 [1] : vector<64x64xf32> to vector<64xf32>
      %broadcast_in_dim3A_49 = vector.shape_cast %reduce_sum3A_48 : vector<64xf32> to vector<64x1xf32>
      %add3A_50 = arith.constant 1.000000e+00 : f32
      %add3A_51 = vector.broadcast %add3A_50 : f32 to vector<64x1xf32>
      %add3A_52 = arith.addf %broadcast_in_dim3A_49, %add3A_51 : vector<64x1xf32>
      %reduce_sum3A_53 = arith.constant dense<0.000000e+00> : vector<64xf32>
      %reduce_sum3A_54 = vector.multi_reduction <add>, %abs3A, %reduce_sum3A_53 [0] : vector<64x64xf32> to vector<64xf32>
      %broadcast_in_dim3A_55 = vector.shape_cast %reduce_sum3A_54 : vector<64xf32> to vector<1x64xf32>
      %add3A_56 = arith.constant 1.000000e+00 : f32
      %add3A_57 = vector.broadcast %add3A_56 : f32 to vector<1x64xf32>
      %add3A_58 = arith.addf %broadcast_in_dim3A_55, %add3A_57 : vector<1x64xf32>
      %add3A_59 = arith.addf %mul3A_46, %convert_element_type3A_32 : vector<64x64xf32>
      %rsqrt3A_60 = math.rsqrt %add3A_52 : vector<64x1xf32>
      %mul3A_61 = vector.broadcast %rsqrt3A_60 : vector<64x1xf32> to vector<64x64xf32>
      %mul3A_62 = arith.mulf %add3A_59, %mul3A_61 : vector<64x64xf32>
      %rsqrt3A_63 = math.rsqrt %add3A_58 : vector<1x64xf32>
      %mul3A_64 = vector.broadcast %rsqrt3A_63 : vector<1x64xf32> to vector<64x64xf32>
      %mul3A_65 = arith.mulf %mul3A_62, %mul3A_64 : vector<64x64xf32>
      %dot_general3A_66 = arith.constant dense<0.000000e+00> : vector<64x64xf32>
      %dot_general3A_67 = tpu.matmul %mul3A_65, %mul3A_65, %dot_general3A_66 {dimension_numbers = #tpu.dot_dimension_numbers<[1], [0], [0], [1], [0, 0, 1, 1], [], []>, precision = #tpu.contract_precision<fp32>, transpose_lhs_hint = false} : vector<64x64xf32>, vector<64x64xf32>, vector<64x64xf32> -> vector<64x64xf32>
      %get3A_68 = arith.constant 0 : index
      %get3A_69 = arith.constant 0 : index
      %get3A_70 = vector.load %arg2[%get3A_68, %get3A_69] : memref<64x320xf32, #tpu.memory_space<vmem>>, vector<64x320xf32>
      %dot_general3A_71 = arith.constant dense<0.000000e+00> : vector<64x320xf32>
      %dot_general3A_72 = tpu.matmul %dot_general3A_67, %get3A_70, %dot_general3A_71 {dimension_numbers = #tpu.dot_dimension_numbers<[1], [0], [0], [1], [0, 0, 1, 1], [], []>, precision = #tpu.contract_precision<fp32>, transpose_lhs_hint = false} : vector<64x64xf32>, vector<64x320xf32>, vector<64x320xf32> -> vector<64x320xf32>
      %get3A_73 = arith.constant 0 : index
      %get3A_74 = arith.constant 0 : index
      %get3A_75 = vector.load %arg3[%get3A_73, %get3A_74] : memref<320x64xf32, #tpu.memory_space<vmem>>, vector<320x64xf32>
      %dot_general3A_76 = arith.constant dense<0.000000e+00> : vector<320x320xf32>
      %dot_general3A_77 = tpu.matmul %get3A_75, %dot_general3A_72, %dot_general3A_76 {dimension_numbers = #tpu.dot_dimension_numbers<[1], [0], [0], [1], [0, 0, 1, 1], [], []>, transpose_lhs_hint = false} : vector<320x64xf32>, vector<64x320xf32>, vector<320x320xf32> -> vector<320x320xf32>
      %get3A_78 = arith.constant 0 : index
      %get3A_79 = arith.constant 0 : index
      %get3A_80 = vector.load %arg4[%get3A_78, %get3A_79] : memref<320x320xf32, #tpu.memory_space<vmem>>, vector<320x320xf32>
      %mul3A_81 = arith.mulf %dot_general3A_77, %get3A_80 : vector<320x320xf32>
      %get3A_82 = arith.constant 0 : index
      %get3A_83 = arith.constant 0 : index
      %get3A_84 = vector.load %arg5[%get3A_82, %get3A_83] : memref<320x64xf32, #tpu.memory_space<vmem>>, vector<320x64xf32>
      %dot_general3A_85 = arith.constant dense<0.000000e+00> : vector<320x64xf32>
      %dot_general3A_86 = tpu.matmul %mul3A_81, %get3A_84, %dot_general3A_85 {dimension_numbers = #tpu.dot_dimension_numbers<[1], [0], [0], [1], [0, 0, 1, 1], [], []>, transpose_lhs_hint = false} : vector<320x320xf32>, vector<320x64xf32>, vector<320x64xf32> -> vector<320x64xf32>
      %get3A_87 = arith.constant 0 : index
      %get3A_88 = arith.constant 0 : index
      %get3A_89 = vector.load %arg6[%get3A_87, %get3A_88] : memref<320x1xf32, #tpu.memory_space<vmem>>, vector<320x1xf32>
      %mul3A_90 = arith.constant 0.999994993 : f32
      %mul3A_91 = vector.broadcast %mul3A_90 : f32 to vector<320x1xf32>
      %mul3A_92 = arith.mulf %get3A_89, %mul3A_91 : vector<320x1xf32>
      %mul3A_93 = vector.broadcast %mul3A_92 : vector<320x1xf32> to vector<320x64xf32>
      %mul3A_94 = arith.mulf %dot_general3A_86, %mul3A_93 : vector<320x64xf32>
      %swap3A_95 = arith.constant 0 : index
      %swap3A_96 = arith.constant 0 : index
      %swap3A_97 = vector.load %arg13[%swap3A_95, %swap3A_96] : memref<320x64xf32, #tpu.memory_space<vmem>>, vector<320x64xf32>
      tpu.vector_store %arg13[%swap3A_95, %swap3A_96], %mul3A_94 {strides = array<i32>} : memref<320x64xf32, #tpu.memory_space<vmem>>, vector<320x64xf32>,
      %get3A_98 = arith.constant 0 : index
      %get3A_99 = arith.constant 0 : index
      %get3A_100 = vector.load %arg7[%get3A_98, %get3A_99] : memref<1x320xf32, #tpu.memory_space<vmem>>, vector<1x320xf32>
      %dot_general3A_101 = arith.constant dense<0.000000e+00> : vector<1x64xf32>
      %dot_general3A_102 = tpu.matmul %get3A_100, %dot_general3A_86, %dot_general3A_101 {dimension_numbers = #tpu.dot_dimension_numbers<[1], [0], [0], [1], [0, 0, 1, 1], [], []>, precision = #tpu.contract_precision<fp32>, transpose_lhs_hint = false} : vector<1x320xf32>, vector<320x64xf32>, vector<1x64xf32> -> vector<1x64xf32>
      %get3A_103 = arith.constant 0 : index
      %get3A_104 = arith.constant 0 : index
      %get3A_105 = vector.load %arg8[%get3A_103, %get3A_104] : memref<1x64xf32, #tpu.memory_space<vmem>>, vector<1x64xf32>
      %add3A_106 = arith.addf %dot_general3A_102, %get3A_105 : vector<1x64xf32>
      %swap3A_107 = arith.constant 0 : index
      %swap3A_108 = arith.constant 0 : index
      %swap3A_109 = vector.load %arg14[%swap3A_107, %swap3A_108] : memref<1x64xf32, #tpu.memory_space<vmem>>, vector<1x64xf32>
      tpu.vector_store %arg14[%swap3A_107, %swap3A_108], %add3A_106 {strides = array<i32>} : memref<1x64xf32, #tpu.memory_space<vmem>>, vector<1x64xf32>,
    } else {
    }
    %get3A = arith.constant 0 : index
    %get3A_2 = arith.constant 0 : index
    %get3A_3 = vector.load %arg13[%get3A, %get3A_2] : memref<320x64xf32, #tpu.memory_space<vmem>>, vector<320x64xf32>
    %get3A_4 = arith.constant 0 : index
    %get3A_5 = arith.constant 0 : index
    %get3A_6 = vector.load %arg9[%get3A_4, %get3A_5] : memref<1024x310xf32, #tpu.memory_space<vmem>>, vector<1024x310xf32>
    %slice3A = vector.extract_strided_slice %get3A_3 {offsets = [0, 0], sizes = [310, 64], strides = [1, 1]} : vector<320x64xf32> to vector<310x64xf32>
    %dot_general3A = arith.constant dense<0.000000e+00> : vector<1024x64xf32>
    %dot_general3A_7 = tpu.matmul %get3A_6, %slice3A, %dot_general3A {dimension_numbers = #tpu.dot_dimension_numbers<[1], [0], [0], [1], [0, 0, 1, 1], [], []>, transpose_lhs_hint = false} : vector<1024x310xf32>, vector<310x64xf32>, vector<1024x64xf32> -> vector<1024x64xf32>
    %get3A_8 = arith.constant 0 : index
    %get3A_9 = arith.constant 0 : index
    %get3A_10 = vector.load %arg14[%get3A_8, %get3A_9] : memref<1x64xf32, #tpu.memory_space<vmem>>, vector<1x64xf32>
    %add3A = vector.broadcast %get3A_10 : vector<1x64xf32> to vector<1024x64xf32>
    %add3A_11 = arith.addf %dot_general3A_7, %add3A : vector<1024x64xf32>
    %max3A = arith.constant 0.000000e+00 : f32
    %max3A_12 = vector.broadcast %max3A : f32 to vector<1024x64xf32>
    %max3A_13 = arith.maximumf %add3A_11, %max3A_12 : vector<1024x64xf32>
    %get3A_14 = arith.constant 0 : index
    %get3A_15 = arith.constant 0 : index
    %get3A_16 = vector.load %arg10[%get3A_14, %get3A_15] : memref<64x3xf32, #tpu.memory_space<vmem>>, vector<64x3xf32>
    %dot_general3A_17 = arith.constant dense<0.000000e+00> : vector<1024x3xf32>
    %dot_general3A_18 = tpu.matmul %max3A_13, %get3A_16, %dot_general3A_17 {dimension_numbers = #tpu.dot_dimension_numbers<[1], [0], [0], [1], [0, 0, 1, 1], [], []>, transpose_lhs_hint = false} : vector<1024x64xf32>, vector<64x3xf32>, vector<1024x3xf32> -> vector<1024x3xf32>
    %get3A_19 = arith.constant 0 : index
    %get3A_20 = arith.constant 0 : index
    %get3A_21 = vector.load %arg11[%get3A_19, %get3A_20] : memref<1x3xf32, #tpu.memory_space<vmem>>, vector<1x3xf32>
    %add3A_22 = vector.broadcast %get3A_21 : vector<1x3xf32> to vector<1024x3xf32>
    %add3A_23 = arith.addf %dot_general3A_18, %add3A_22 : vector<1024x3xf32>
    %swap3A = arith.constant 0 : index
    %swap3A_24 = arith.constant 0 : index
    %swap3A_25 = vector.load %arg12[%swap3A, %swap3A_24] : memref<1024x3xf32, #tpu.memory_space<vmem>>, vector<1024x3xf32>
    tpu.vector_store %arg12[%swap3A, %swap3A_24], %add3A_23 {strides = array<i32>} : memref<1024x3xf32, #tpu.memory_space<vmem>>, vector<1024x3xf32>,
    return
  }
  func.func @transform_0(%arg0: i32) -> (i32, i32) {
    %c0_i32 = arith.constant 0 : i32
    %c0_i32_0 = arith.constant 0 : i32
    %c0_i32_1 = arith.constant 0 : i32
    return %c0_i32, %c0_i32_0 : i32, i32
  }
  func.func @transform_1(%arg0: i32) -> (i32, i32) {
    %c0_i32 = arith.constant 0 : i32
    %c0_i32_0 = arith.constant 0 : i32
    %c0_i32_1 = arith.constant 0 : i32
    return %c0_i32, %c0_i32_0 : i32, i32
  }
  func.func @transform_2(%arg0: i32) -> (i32, i32) {
    %c0_i32 = arith.constant 0 : i32
    %c0_i32_0 = arith.constant 0 : i32
    %c0_i32_1 = arith.constant 0 : i32
    return %c0_i32, %c0_i32_0 : i32, i32
  }
  func.func @transform_3(%arg0: i32) -> (i32, i32) {
    %c0_i32 = arith.constant 0 : i32
    %c0_i32_0 = arith.constant 0 : i32
    %c0_i32_1 = arith.constant 0 : i32
    return %c0_i32, %c0_i32_0 : i32, i32
  }
  func.func @transform_4(%arg0: i32) -> (i32, i32) {
    %c0_i32 = arith.constant 0 : i32
    %c0_i32_0 = arith.constant 0 : i32
    %c0_i32_1 = arith.constant 0 : i32
    return %c0_i32, %c0_i32_0 : i32, i32
  }
  func.func @transform_5(%arg0: i32) -> (i32, i32) {
    %c0_i32 = arith.constant 0 : i32
    %c0_i32_0 = arith.constant 0 : i32
    %c0_i32_1 = arith.constant 0 : i32
    return %c0_i32, %c0_i32_0 : i32, i32
  }
  func.func @transform_6(%arg0: i32) -> (i32, i32) {
    %c0_i32 = arith.constant 0 : i32
    %c0_i32_0 = arith.constant 0 : i32
    %c0_i32_1 = arith.constant 0 : i32
    return %c0_i32, %c0_i32_0 : i32, i32
  }
  func.func @transform_7(%arg0: i32) -> (i32, i32) {
    %c0_i32 = arith.constant 0 : i32
    %c0_i32_0 = arith.constant 0 : i32
    %c0_i32_1 = arith.constant 0 : i32
    return %c0_i32, %c0_i32_0 : i32, i32
  }
  func.func @transform_8(%arg0: i32) -> (i32, i32) {
    %c0_i32 = arith.constant 0 : i32
    %c0_i32_0 = arith.constant 0 : i32
    return %arg0, %c0_i32 : i32, i32
  }
  func.func @transform_9(%arg0: i32) -> (i32, i32) {
    %c0_i32 = arith.constant 0 : i32
    %c0_i32_0 = arith.constant 0 : i32
    %c0_i32_1 = arith.constant 0 : i32
    return %c0_i32, %c0_i32_0 : i32, i32
  }
  func.func @transform_10(%arg0: i32) -> (i32, i32) {
    %c0_i32 = arith.constant 0 : i32
    %c0_i32_0 = arith.constant 0 : i32
    %c0_i32_1 = arith.constant 0 : i32
    return %c0_i32, %c0_i32_0 : i32, i32
  }
  func.func @transform_11(%arg0: i32) -> (i32, i32) {
    %c0_i32 = arith.constant 0 : i32
    %c0_i32_0 = arith.constant 0 : i32
    return %arg0, %c0_i32 : i32, i32
  }
}

</mosaic_0001>

<sc_bundles>
// kernel: kernel.4.cloned.1.call-start
scs
__scs_entry_jumppad:
0x0: {  	(pc) =	sbr.rel $0x88, $3  }
0x1: {  	(tag) =	ssettag $0x0;
	lr =	simm.s32 $0x1  }
0x2: {  	[smem:$0x3F97] =	sst lr;
	_ =	strace $0xD0000000  }
0x3: {  	_ = 	snop  }
0x4: {  	_ = 	snop  }
0x5: {  	_ = 	snop  }
0x6: {  	_ = 	snop  }
0x7: {  	_ = 	snop  }
__scs_overlays_trampoline_lowered:
0x8: {  	[smem:$0x3FA6] =	sst s0  }
0x9: {  	[smem:$0x3FA7] =	sst s1  }
0xa: {  	[smem:$0x3FA8] =	sst s2  }
0xb: {  	[smem:$0x3FA9] =	sst s3  }
0xc: {  	[smem:$0x3FAA] =	sst s4  }
0xd: {  	[smem:$0x3FAB] =	sst s5  }
0xe: {  	[smem:$0x3FAC] =	sst s6  }
0xf: {  	[smem:$0x3FAD] =	sst s7  }
0x10: {  	[smem:$0x3FAE] =	sst s8  }
0x11: {  	[smem:$0x3FAF] =	sst s9;
	s0 =	simm.s32 @!p0 $0x0  }
0x12: {  	s1 =	sld [smem:$0x3F95];
	s0 =	simm.s32 @p0 $0x1  }
0x13: {  	[smem:$0x3FB0] =	sst s0;
	s0 =	simm.s32 @!p1 $0x0  }
0x14: {  	s2 =	sld [smem:$0x3F94];
	s0 =	simm.s32 @p1 $0x1  }
0x15: {  	[smem:$0x3FB1] =	sst s0;
	s0 =	simm.s32 @!p2 $0x0  }
0x16: {  	s3 =	sld [smem:$0x3FDB];
	s0 =	simm.s32 @p2 $0x1  }
0x17: {  	s4 =	simm.s32 $0x1BF5;
	[smem:$0x3FB3] =	sst s0  }
0x18: {  	s0 =	sld [smem:$0x3F96];
	_ =	swait.ge [sflag:s4], $0x0  }
0x19: {  	s7 =	sld [smem:$0x3F97]  }
0x1a: {  	s8 =	sadd.s32 $0xFFFFE003, lr  }
0x1b: {  	s9 =	sadd.s32 $0xFFFFFEF7, lr;
	s5 =	simm.s32 $0xFFFFFFFF;
	p2 =	slt.u32 s8, $0xFFFFF086  }
0x1c: {  	p1 =	slt.u32 s9, $0xF7A;
	s5 =	simm.s32 @!p2 $0x0  }
0x1d: {  	s5 =	simm.s32 @p1 $0x1;
	p0 =	seq.s32 s7, s2  }
0x1e: {  	s7 =	smul.u32 @!p0 $0xF7A, s2;
	p2 =	seq.s32 @!p0 s5, $0x0  }
0x1f: {  	s9 =	smul.u32 $0xF7A, s1;
	s8 =	simm.s32 @!p0 $0x1BF5;
	p2 =	por !p2, p0  }
0x20: {  	[sflag:s8] =	ssyncset.s32 @!p0 $0xFFFFF086;
	s6 =	sadd.s32 @!p0 s3, s7;
	s7 =	simm.s32 @!p0 $0x108  }
0x21: {  	s3 =	sadd.s32 s3, s9;
	s6 =	sadd.s32 @!p0 $0x88, s6;
	s7 =	simm.s32 @p2 $0x1082  }
0x22: {  	[simem:s7], [sflag:s8] =	dma.local @!p0 [hbm:s6], $0xF7A  }
0x23: {  	s9 =	sor.u32 $0xD0000000, s2;
	s6 =	simm.s32 $0x108;
	_ =	swait.ge @!p0 [sflag:s8], $0x0  }
0x24: {  	s3 =	sadd.s32 $0x88, s3;
	s6 =	simm.s32 @!p1 $0x1082;
	[sflag:s4] =	ssyncset.s32 $0xFFFFF086  }
0x25: {  	[simem:s6], [sflag:s4] =	dma.local [hbm:s3], $0xF7A  }
0x26: {  	[smem:$0x3F97] =	sst s1;
	(tag) =	ssettag s2;
	_ =	strace s9  }
0x27: {  	s1 =	sld [smem:$0x3FA7]  }
0x28: {  	s2 =	sld [smem:$0x3FA8]  }
0x29: {  	s4 =	sld [smem:$0x3FAA]  }
0x2a: {  	p0 =	seq.s32 s5, $0x0;
	s5 =	sld [smem:$0x3FAB]  }
0x2b: {  	s6 =	sld [smem:$0x3FAC]  }
0x2c: {  	s7 =	sld [smem:$0x3FAD]  }
0x2d: {  	s3 =	simm.s32 $0x108;
	s8 =	sld [smem:$0x3FAE]  }
0x2e: {  	s3 =	simm.s32 @!p0 $0x1082;
	s9 =	sld [smem:$0x3FAF]  }
0x2f: {  	lr =	sadd.s32 s0, s3;
	s0 =	sld [smem:$0x3FA6]  }
0x30: {  	s3 =	sld [smem:$0x3FA9]  }
0x31: {  	[smem:$0x3FB2] =	sst s10  }
0x32: {  	s10 =	sld [smem:$0x3FB0];
	_ =	sdelay $0x3  }
0x33: {  	p0 =	seq.s32 s10, $0x1;
	s10 =	sld [smem:$0x3FB2];
	_ =	sdelay $0x3  }
0x34: {  	[smem:$0x3FB2] =	sst s10  }
0x35: {  	s10 =	sld [smem:$0x3FB1];
	_ =	sdelay $0x3  }
0x36: {  	p1 =	seq.s32 s10, $0x1;
	s10 =	sld [smem:$0x3FB2];
	_ =	sdelay $0x3  }
0x37: {  	[smem:$0x3FB2] =	sst s10  }
0x38: {  	s10 =	sld [smem:$0x3FB3]  }
0x39: {  	_ = 	snop;
	(pc) =	sbr.ind lr, $3  }
0x3a: {  	_ = 	snop  }
0x3b: {  	_ = 	snop  }
0x3c: {  	p2 =	seq.s32 s10, $0x1;
	s10 =	sld [smem:$0x3FB2]  }
0x3d: {  	_ =	shalt  }
0x3e: {  	_ =	shalt  }
0x3f: {  	_ =	shalt  }
0x40: {  	_ =	shalt  }
0x41: {  	_ =	shalt  }
0x42: {  	_ =	shalt  }
0x43: {  	_ =	shalt  }
0x44: {  	_ =	shalt  }
0x45: {  	_ =	shalt  }
0x46: {  	_ =	shalt  }
0x47: {  	_ =	shalt  }
0x48: {  	_ =	shalt  }
0x49: {  	_ =	shalt  }
0x4a: {  	_ =	shalt  }
0x4b: {  	_ =	shalt  }
0x4c: {  	_ =	shalt  }
0x4d: {  	_ =	shalt  }
0x4e: {  	_ =	shalt  }
0x4f: {  	_ =	shalt  }
0x50: {  	_ =	shalt  }
0x51: {  	_ =	shalt  }
0x52: {  	_ =	shalt  }
0x53: {  	_ =	shalt  }
0x54: {  	_ =	shalt  }
0x55: {  	_ =	shalt  }
0x56: {  	_ =	shalt  }
0x57: {  	_ =	shalt  }
0x58: {  	_ =	shalt  }
0x59: {  	_ =	shalt  }
0x5a: {  	_ =	shalt  }
0x5b: {  	_ =	shalt  }
0x5c: {  	_ =	shalt  }
0x5d: {  	_ =	shalt  }
0x5e: {  	_ =	shalt  }
0x5f: {  	_ =	shalt  }
0x60: {  	_ =	shalt  }
0x61: {  	_ =	shalt  }
0x62: {  	_ =	shalt  }
0x63: {  	_ =	shalt  }
0x64: {  	_ =	shalt  }
0x65: {  	_ =	shalt  }
0x66: {  	_ =	shalt  }
0x67: {  	_ =	shalt  }
0x68: {  	_ =	shalt  }
0x69: {  	_ =	shalt  }
0x6a: {  	_ =	shalt  }
0x6b: {  	_ =	shalt  }
0x6c: {  	_ =	shalt  }
0x6d: {  	_ =	shalt  }
0x6e: {  	_ =	shalt  }
0x6f: {  	_ =	shalt  }
0x70: {  	_ =	shalt  }
0x71: {  	_ =	shalt  }
0x72: {  	_ =	shalt  }
0x73: {  	_ =	shalt  }
0x74: {  	_ =	shalt  }
0x75: {  	_ =	shalt  }
0x76: {  	_ =	shalt  }
0x77: {  	_ =	shalt  }
0x78: {  	_ =	shalt  }
0x79: {  	_ =	shalt  }
0x7a: {  	_ =	shalt  }
0x7b: {  	_ =	shalt  }
0x7c: {  	_ =	shalt  }
0x7d: {  	_ =	shalt  }
0x7e: {  	_ =	shalt  }
0x7f: {  	_ =	shalt  }
0x80: {  	_ =	shalt  }
0x81: {  	_ =	shalt  }
0x82: {  	_ =	shalt  }
0x83: {  	_ =	shalt  }
0x84: {  	_ =	shalt  }
0x85: {  	_ =	shalt  }
0x86: {  	_ =	shalt  }
0x87: {  	_ =	shalt  }
.Lfunc_end0:
.L_simem_size_0:
called_computation_lowered:
.L_overlay_start_0:
0x88: {  	s0 =	sld [smem:$0x3FD9]  }
0x89: {  	s1 =	sld [smem:$0x3FFE];
	_ =	sdelay $0x3  }
0x8a: {  	s0 =	sadd.s32 s1, s0  }
0x8b: {  	[smem:$0x3FBE] =	sst s0  }
0x8c: {  	_ = 	snop  }
0x8d: {  	s0 =	sld [smem:$0x3FC8]  }
0x8e: {  	s17 =	sld [smem:$0x3FD0];
	(tm) =	ssettm $0x1  }
0x8f: {  	s2 =	sld [smem:$0x3FFB];
	_ =	sdelay $0x3  }
0x90: {  	_ =	strace s2  }
0x91: {  	s2 =	sld [smem:$0x3FFC];
	_ =	sdelay $0x3  }
0x92: {  	_ =	strace s2  }
0x93: {  	s2 =	sld [smem:$0x3FFD];
	_ =	sdelay $0x3  }
0x94: {  	_ =	strace s2  }
0x95: {  	_ =	strace $0x8FFFFFFF  }
0x96: {  	s18 =	sld [smem:$0x3FDB];
	_ =	sdelay $0x1  }
0x97: {  	s3 =	simm.s32 $_scs_section_size  }
0x98: {  	s4 =	simm.s32 $_size__tile_overlayer_lowered;
	s5 =	simm.s32 $_tile_overlayer_lowered  }
0x99: {  	s21 =	simm.s32 $0x1BFF;
	s20 =	sshll.u32 s5, $0x1;
	s2 =	sadd.s32 s3, s18  }
0x9a: {  	s6 =	simm.s32 $0x0;
	s19 =	sshll.u32 s4, $0x1;
	s4 =	sadd.s32 s20, s2  }
0x9b: {  	[timem:s6], [sflag:s21] =	dma.local [hbm:s4], s19  }
0x9c: {  	_ =	swait.ge [sflag:s21], s19  }
0x9d: {  	s3 =	ssub.s32 $0x0, s19;
	[sflag:s21] =	ssyncset.done $0x0  }
0x9e: {  	[sflag:s21] =	ssyncadd.s32 s3;
	_ =	sdelay $0x1  }
0x9f: {  	s22 =	simm.s32 $0x1B8B  }
0xa0: {  	_ =	swait.ge [sflag:s22], $0x1  }
0xa1: {  	[sflag:s22] =	ssyncset.done $0x0  }
0xa2: {  	s23 =	simm.s32 $0x1B8E;
	[sflag:s22] =	ssyncadd.s32 $0xFFFFFFFF  }
0xa3: {  	s24 =	simm.s32 $execute0_lowered;
	[smem:$0x3FD2] =	sst s23  }
0xa4: {  	s3 =	sshll.u32 s24, $0x1;
	_ =	strace $0x80000046;
	[dreg:$0x1] =	wrdreg $0xFFFFFFFF  }
0xa5: {  	s25 =	simm.s32 $_size_execute0_lowered;
	s2 =	sadd.s32 s2, s3;
	[dreg:$0x0] =	wrdreg $0x0  }
0xa6: {  	s3 =	sshll.u32 s25, $0x1;
	[dreg:$0x2] =	wrdreg s2  }
0xa7: {  	[dreg:$0x3] =	wrdreg s3  }
0xa8: {  	[dreg:$0x4] =	wrdreg $0xC0  }
0xa9: {  	_ =	task [dreg:s6], $0x5FFFF  }
0xaa: {  	[dreg:$0x1] =	wrdreg $0xFFFFFFFF  }
0xab: {  	[dreg:$0x0] =	wrdreg $0x60  }
0xac: {  	[dreg:$0x2] =	wrdreg s0  }
0xad: {  	[dreg:$0x3] =	wrdreg s17  }
0xae: {  	[dreg:$0x4] =	wrdreg $0x9  }
0xaf: {  	_ =	task.clear_ibuf [dreg:s6], $0x5FFFF;
	_ =	strace $0x90000046  }
0xb0: {  	s26 =	simm.s32 $0x9;
	_ =	strace $0x80000048  }
0xb1: {  	_ =	swait.ge [sflag:s26], $0x1  }
0xb2: {  	[sflag:s26] =	ssyncadd.s32 $0xFFFFFFFF  }
0xb3: {  	_ =	strace $0x90000048  }
0xb4: {  	_ =	sfence  }
0xb5: {  	s28 =	sld [smem:$0x0];
	_ =	sdelay $0x1  }
0xb6: {  	s29 =	srdreg.scid  }
0xb7: {  	s30 =	sshll.u32 s29, $0xD;
	s31 =	sshrl.u32 s29, $0x2  }
0xb8: {  	s1 =	sand.u32 $0x1, s29;
	s2 =	sand.u32 $0x4000, s30;
	s0 =	sadd.s32 s31, s28  }
0xb9: {  	s1 =	sor.u32 s2, s1;
	s0 =	sshll.u32 s0, $0x11  }
0xba: {  	s0 =	sor.u32 s0, s1  }
0xbb: {  	s0 =	sadd.s32 $0x8F2B, s0  }
0xbc: {  	[sflag:s0] =	ssyncadd.remote.s32 $0x1  }
0xbd: {  	_ =	sfence.sel $0xFFFF  }
0xbe: {  	[dreg:$0x0] =	wrdreg $0xFFFFFFFF;
	(pc) =	sbr.abs _section_cstart, $3  }
0xbf: {  	[dreg:$0x1] =	wrdreg $0xFFFFFFFF  }
0xc0: {  	_ =	task.clear_ibuf [dreg:s6], $0x2FFFF;
	_ =	strace $0x9FFFFFFF  }
0xc1: {  	(tm) =	ssettm $0x7FFFFFFF  }
tec
execute0_lowered:
.L_overlay_start_1:
0x0: {  	(tag) =	ssettag $0x1  }
0x1: {  	v0 =	vimm.s32 $0xFA6310  }
0x2: {  	v2 =	vimm.s32 $0x1C152D24;
	vm0 =	vcmask $0x1700;
	v3 =	vimm.s32 $0x42375B4E  }
0x3: {  	vm14 =	vcmask $0x2718;
	vm15 =	vcmask $0x3728;
	v55 =	vimm.s32 $0xBEAB9988  }
0x4: {  	v57 =	vimm.s32 $0xFDE7D2;
	vm1 =	vcmask $0xF00;
	vm4 =	vcmask $0x1B10  }
0x5: {  	v61 =	vimm.s32 $0x468;
	vm3 =	vcmask $0x300;
	v0 =	vunpack.c.l.s4.s8 v0  }
0x6: {  	vm7 =	vcmask $0x704;
	vm11 =	vcmask $0xB08;
	vm12 =	vcmask $0xF0C  }
0x7: {  	vm13 =	vcmask $0x1310;
	vm6 =	vcmask $0x2F2C;
	v1 =	vunpack.c.0.s8.s32 v0  }
0x8: {  	s0 =	stileid.u32;
	vm8 =	vcmask $0x3330;
	vm10 =	vcmask $0x3734;
	v2 =	vunpack.c.0.s8.s32 v2  }
0x9: {  	s4 =	sshll.u32 s0, $0x2;
	v3 =	vunpack.c.0.s8.s32 v3;
	v6 =	vunpack.c.0.s8.s32 v57;
	v1 =	vand.u32 $0xF, v1  }
0xa: {  	v56 =	vunpack.c.0.s8.s32 v55;
	s6 =	sor.u32 $0x1, s4;
	v11 =	vmov s4;
	v1 =	vnsel vm0, $0x78, v1  }
0xb: {  	s1 =	smul.u32 s4, s6;
	v0 =	vlaneseq.u32;
	v6 =	vand.u32 $0xFF, v6;
	v1 =	vsel vm14, v2, v1  }
0xc: {  	v58 =	vadd.s32 $0xFFFFFFFF, v0;
	vm0 =	vcmask $0x3B38;
	v1 =	vsel vm15, v3, v1  }
0xd: {  	s7 =	sshrl.u32 s1, $0x1;
	vm2 =	vgt.s32 v11, v58;
	v3 =	vand.u32 $0xFF, v56;
	v1 =	vsel vm0, $0x69, v1  }
0xe: {  	v4 =	vadd.s32 s7, v0;
	v3 =	vnsel vm1, $0x1F0, v3;
	v5 =	vadd.s32 s4, v1  }
0xf: {  	s5 =	rddreg [dreg:$0x0];
	vm1 =	vcmask $0x1F1C;
	v6 =	vsel vm4, v6, v3;
	v7 =	vsel vm2, v4, v5  }
0x10: {  	s2 =	rddreg [dreg:$0x1];
	s3 =	simm.s32 $0x0;
	v60 =	vsel vm1, $0x114, v6;
	vm2 =	vcmask $0x2320;
	v5 =	vsel vm3, $0x210, v61  }
0x11: {  	[smem:$0x7FF] =	sst s3;
	vm3 =	vcmask $0x2724;
	v4 =	vsel vm2, $0x12C, v60;
	v5 =	vsel vm7, $0x231, v5  }
0x12: {  	s25 =	simm.s32 $0x1;
	s1 =	rddreg [dreg:$0x2];
	_ =	strace $0x80000047;
	vm4 =	vcmask $0x2B28;
	v4 =	vsel vm3, $0x145, v4;
	v5 =	vsel vm11, $0x253, v5  }
0x13: {  	v59 =	vor.u32 $0x10, v0;
	[tilespmem:s3], [sflag:$0x1] =	stream.linear.gather [hbm4b:s5+s3], $0x800, $0x38;
	v5 =	vsel vm12, $0x276, v5;
	v4 =	vsel vm4, $0x15F, v4;
	[tilespmem:$0x900] =	vst v63  }
0x14: {  	vm14 =	vcmask $0x1714;
	_ =	swait.ge [sflag:s25], $0x800;
	v5 =	vsel vm13, $0x29A, v5;
	v4 =	vsel vm6, $0x17A, v4  }
0x15: {  	vm15 =	vcmask $0x1B18;
	[sflag:s25] =	ssyncset.done $0x0;
	v5 =	vsel vm14, $0x2BF, v5;
	v4 =	vsel vm8, $0x196, v4  }
0x16: {  	v63 =	vadd.s32 $0xF, v0;
	[sflag:s25] =	ssyncadd.s32 $0xFFFFF800;
	v5 =	vsel vm15, $0x2E5, v5;
	v4 =	vsel vm10, $0x1B3, v4  }
0x17: {  	vm9 =	vgt.u32 v11, v63;
	v9 =	vld.idx.msk [tilespmem:v7+s3+$0x0], $0xffff;
	v5 =	vsel vm1, $0x30C, v5;
	v4 =	vsel vm0, $0x1D1, v4  }
0x18: {  	v62 =	vadd.s32 s7, v59;
	v8 =	vsel vm2, $0x334, v5;
	v18 =	vadd.s32 s4, v4  }
0x19: {  	v14 =	vimm.s32 $0x63C;
	v8 =	vsel vm3, $0x35D, v8;
	v10 =	vsel vm9, v62, v18  }
0x1a: {  	v21 =	vimm.s32 $0x498;
	v23 =	vsel vm7, $0x675, v14;
	v8 =	vsel vm4, $0x387, v8  }
0x1b: {  	v20 =	vor.u32 $0x20, v0;
	v22 =	vadd.s32 $0x1F, v0;
	v19 =	vsel vm6, $0x3B2, v8  }
0x1c: {  	v9 =	vmax.f32 v9, $0.0e+00;
	v8 =	vsel vm7, $0x4C9, v21;
	v7 =	vsel vm8, $0x3DE, v19  }
0x1d: {  	vm5 =	vgt.u32 v11, v22;
	[tilespmem:$0x800] =	vst v9;
	v15 =	vsel vm11, $0x4FB, v8;
	v7 =	vsel vm10, $0x40B, v7  }
0x1e: {  	v12 =	vadd.s32 s7, v20;
	v24 =	vsel vm12, $0x52E, v15;
	v7 =	vsel vm0, $0x439, v7;
	v10 =	vld.idx.msk [tilespmem:v10+s3+$0x0], $0xffff  }
0x1f: {  	v9 =	vsel vm11, $0x6AF, v23;
	v14 =	vsel vm13, $0x562, v24;
	v13 =	vadd.s32 s4, v7  }
0x20: {  	v9 =	vsel vm12, $0x6EA, v9;
	v25 =	vsel vm14, $0x597, v14;
	v12 =	vsel vm5, v12, v13  }
0x21: {  	v9 =	vsel vm13, $0x726, v9;
	v13 =	vsel vm15, $0x5CD, v25  }
0x22: {  	v9 =	vsel vm14, $0x763, v9;
	v13 =	vsel vm1, $0x604, v13  }
0x23: {  	v13 =	vcombine.low v13, v9;
	v26 =	vmax.f32 v10, $0.0e+00  }
0x24: {  	v27 =	vor.u32 $0x30, v0;
	v28 =	vadd.s32 $0x2F, v0;
	[tilespmem:$0x810] =	vst v26  }
0x25: {  	v29 =	vadd.s32 s7, v27;
	vm5 =	vgt.u32 v11, v28;
	v30 =	vadd.s32 s4, v13;
	v31 =	vld.idx.msk [tilespmem:v12+s3+$0x0], $0xffff  }
0x26: {  	vm9 =	vmmov $0x3fff;
	v32 =	vsel vm5, v29, v30  }
0x27: {  	v12 =	vnsel vm9, $0x0, v32;
	_ =	sdelay $0x2  }
0x28: {  	s26 =	sor.u32 $0x2, s4;
	v11 =	vmax.f32 v31, $0.0e+00  }
0x29: {  	s8 =	smul.u32 s26, s6;
	[tilespmem:$0x820] =	vst v11  }
0x2a: {  	v11 =	vld.idx.msk [tilespmem:v12+s3+$0x0], $0xffff  }
0x2b: {  	v33 =	vmov s6;
	s8 =	sshrl.u32 s8, $0x1  }
0x2c: {  	v34 =	vadd.s32 s8, v0;
	v35 =	vadd.s32 s6, v1;
	vm5 =	vgt.s32 v33, v58  }
0x2d: {  	v14 =	vsel vm5, v34, v35;
	_ =	sdelay $0x1  }
0x2e: {  	v11 =	vmax.f32 v11, $0.0e+00  }
0x2f: {  	v11 =	vnsel vm9, $0x0, v11  }
0x30: {  	[tilespmem:$0x830] =	vst v11  }
0x31: {  	v11 =	vld.idx.msk [tilespmem:v14+s3+$0x0], $0xffff  }
0x32: {  	v36 =	vadd.s32 s8, v59;
	v37 =	vadd.s32 s6, v4;
	vm5 =	vgt.u32 v33, v63  }
0x33: {  	v14 =	vsel vm5, v36, v37;
	_ =	sdelay $0x2  }
0x34: {  	v11 =	vmax.f32 v11, $0.0e+00  }
0x35: {  	[tilespmem:$0x840] =	vst v11  }
0x36: {  	v11 =	vld.idx.msk [tilespmem:v14+s3+$0x0], $0xffff  }
0x37: {  	v38 =	vadd.s32 s8, v20;
	v39 =	vadd.s32 s6, v7;
	vm5 =	vgt.u32 v33, v22  }
0x38: {  	v14 =	vsel vm5, v38, v39;
	_ =	sdelay $0x2  }
0x39: {  	v11 =	vmax.f32 v11, $0.0e+00  }
0x3a: {  	[tilespmem:$0x850] =	vst v11  }
0x3b: {  	v40 =	vadd.s32 s8, v27;
	v13 =	vadd.s32 s6, v13;
	vm5 =	vgt.u32 v33, v28;
	v14 =	vld.idx.msk [tilespmem:v14+s3+$0x0], $0xffff  }
0x3c: {  	v11 =	vsel vm5, v40, v13  }
0x3d: {  	v11 =	vnsel vm9, $0x0, v11;
	_ =	sdelay $0x1  }
0x3e: {  	s28 =	sshllo.u32 s0, $0x2  }
0x3f: {  	s29 =	smul.u32 s28, s26;
	v41 =	vmax.f32 v14, $0.0e+00  }
0x40: {  	[tilespmem:$0x860] =	vst v41  }
0x41: {  	v42 =	vmov s26;
	s8 =	sshrl.u32 s29, $0x1;
	v11 =	vld.idx.msk [tilespmem:v11+s3+$0x0], $0xffff  }
0x42: {  	v43 =	vadd.s32 s8, v0;
	v44 =	vadd.s32 s26, v1;
	vm5 =	vgt.s32 v42, v58  }
0x43: {  	p0 =	sne.s32 s0, $0xF;
	v13 =	vsel vm5, v43, v44  }
0x44: {  	v13 =	vpsel !p0, $0x0, v13;
	_ =	sdelay $0x1  }
0x45: {  	v11 =	vmax.f32 v11, $0.0e+00  }
0x46: {  	v11 =	vnsel vm9, $0x0, v11  }
0x47: {  	[tilespmem:$0x870] =	vst v11  }
0x48: {  	v45 =	vadd.s32 s8, v59;
	v46 =	vadd.s32 s26, v4;
	vm5 =	vgt.u32 v42, v63;
	v13 =	vld.idx.msk [tilespmem:v13+s3+$0x0], $0xffff  }
0x49: {  	v47 =	vimm.s32 $0x7E0;
	v11 =	vsel vm5, v45, v46;
	vm5 =	vcmask $0x300  }
0x4a: {  	v48 =	vsel vm5, $0x498, v47  }
0x4b: {  	v11 =	vpsel !p0, $0x0, v11;
	v14 =	vsel vm7, $0x4C9, v48  }
0x4c: {  	v14 =	vsel vm11, $0x4FB, v14  }
0x4d: {  	v14 =	vsel vm12, $0x52E, v14;
	v13 =	vmax.f32 v13, $0.0e+00  }
0x4e: {  	v14 =	vsel vm13, $0x562, v14;
	v13 =	vpsel !p0, $0x0, v13  }
0x4f: {  	v14 =	vsel vm14, $0x597, v14;
	[tilespmem:$0x880] =	vst v13  }
0x50: {  	v50 =	vadd.s32 s8, v20;
	v49 =	vsel vm15, $0x5CD, v14;
	v11 =	vld.idx.msk [tilespmem:v11+s3+$0x0], $0xffff  }
0x51: {  	v51 =	vadd.s32 s26, v7;
	vm7 =	vgt.u32 v42, v22;
	v13 =	vsel vm1, $0x604, v49  }
0x52: {  	v14 =	vsel vm7, v50, v51;
	v13 =	vsel vm2, $0x63C, v13  }
0x53: {  	v14 =	vpsel !p0, $0x0, v14;
	v13 =	vsel vm3, $0x675, v13  }
0x54: {  	v13 =	vsel vm4, $0x6AF, v13  }
0x55: {  	v13 =	vsel vm6, $0x6EA, v13;
	v11 =	vmax.f32 v11, $0.0e+00  }
0x56: {  	v13 =	vsel vm8, $0x726, v13;
	v11 =	vpsel !p0, $0x0, v11  }
0x57: {  	vm1 =	vmxor vm7, vm7;
	v13 =	vsel vm10, $0x763, v13;
	[tilespmem:$0x890] =	vst v11  }
0x58: {  	v54 =	vadd.s32 s8, v27;
	vm2 =	vmmov vm1;
	v52 =	vsel vm0, $0x7A1, v13;
	v53 =	vld.idx.msk [tilespmem:v14+s3+$0x0], $0xffff  }
0x59: {  	vm2 =	vmneg @p0 vm2;
	vm8 =	vgt.u32 v42, v28;
	v55 =	vadd.s32 s26, v52  }
0x5a: {  	vm10 =	vmand vm2, vm9;
	v12 =	vsel vm8, v54, v55  }
0x5b: {  	v12 =	vnsel vm10, $0x0, v12;
	_ =	sdelay $0x1  }
0x5c: {  	s4 =	sadd.s32 $0x4, s4;
	v13 =	vmax.f32 v53, $0.0e+00  }
0x5d: {  	s4 =	smul.u32 s4, s28;
	v13 =	vpsel !p0, $0x0, v13  }
0x5e: {  	[tilespmem:$0x8A0] =	vst v13  }
0x5f: {  	v56 =	vmov s28;
	s4 =	sshrl.u32 s4, $0x1;
	v12 =	vld.idx.msk [tilespmem:v12+s3+$0x0], $0xffff  }
0x60: {  	v1 =	vadd.s32 s28, v1;
	v0 =	vadd.s32 s4, v0;
	vm11 =	vgt.s32 v56, v58  }
0x61: {  	v0 =	vsel vm11, v0, v1;
	p0 =	slt.u32 s28, $0x3E  }
0x62: {  	v0 =	vpsel !p0, $0x0, v0;
	_ =	sdelay $0x1  }
0x63: {  	v57 =	vmax.f32 v12, $0.0e+00  }
0x64: {  	v1 =	vnsel vm10, $0x0, v57  }
0x65: {  	[tilespmem:$0x8B0] =	vst v1  }
0x66: {  	v0 =	vld.idx.msk [tilespmem:v0+s3+$0x0], $0xffff  }
0x67: {  	v58 =	vadd.s32 s4, v59;
	v59 =	vadd.s32 s28, v4;
	vm12 =	vgt.u32 v56, v63  }
0x68: {  	v1 =	vsel vm12, v58, v59  }
0x69: {  	v1 =	vpsel !p0, $0x0, v1;
	_ =	sdelay $0x1  }
0x6a: {  	v0 =	vmax.f32 v0, $0.0e+00  }
0x6b: {  	v0 =	vpsel !p0, $0x0, v0  }
0x6c: {  	[tilespmem:$0x8C0] =	vst v0  }
0x6d: {  	v0 =	vld.idx.msk [tilespmem:v1+s3+$0x0], $0xffff  }
0x6e: {  	v61 =	vadd.s32 s28, v7;
	v60 =	vadd.s32 s4, v20;
	vm13 =	vgt.u32 v56, v22  }
0x6f: {  	v1 =	vsel vm13, v60, v61  }
0x70: {  	v1 =	vpsel !p0, $0x0, v1;
	_ =	sdelay $0x1  }
0x71: {  	v0 =	vmax.f32 v0, $0.0e+00  }
0x72: {  	v0 =	vpsel !p0, $0x0, v0  }
0x73: {  	[tilespmem:$0x8D0] =	vst v0  }
0x74: {  	v62 =	vadd.s32 s4, v27;
	v0 =	vld.idx.msk [tilespmem:v1+s3+$0x0], $0xffff  }
0x75: {  	vm14 =	vgt.u32 v56, v28;
	v63 =	vadd.s32 s28, v52;
	vm1 =	vmneg @p0 vm1  }
0x76: {  	vm15 =	vmand vm1, vm9;
	v1 =	vsel vm14, v62, v63  }
0x77: {  	v1 =	vnsel vm15, $0x0, v1;
	_ =	sdelay $0x1  }
0x78: {  	v0 =	vmax.f32 v0, $0.0e+00  }
0x79: {  	v0 =	vpsel !p0, $0x0, v0  }
0x7a: {  	[tilespmem:$0x8E0] =	vst v0  }
0x7b: {  	v0 =	vld.idx.msk [tilespmem:v1+s3+$0x0], $0xffff;
	_ =	sdelay $0x4  }
0x7c: {  	v0 =	vmax.f32 v0, $0.0e+00  }
0x7d: {  	s30 =	sshll.u32 s0, $0x5;
	v0 =	vnsel vm15, $0x0, v0  }
0x7e: {  	s31 =	simm.s32 $0x800;
	s2 =	sadd.s32 s2, s30;
	[tilespmem:$0x8F0] =	vst v0  }
0x7f: {  	[hbm4b:s2+s3] =	stream.linear.scatter [tilespmem:s31], [sflag:$0x1], $0x100, $0x38;
	[tilespmem:$0x900] =	vst v63  }
0x80: {  	_ =	swait.ge [sflag:s25], $0x100  }
0x81: {  	[sflag:s25] =	ssyncset.done $0x0  }
0x82: {  	[sflag:s25] =	ssyncadd.s32 $0xFFFFFF00  }
0x83: {  	_ =	sfence.sel $0x180000  }
0x84: {  	[bflag:$0x0] =	sbarrier.arrive $0xFFFF  }
0x85: {  	p0 =	sne.s32 s0, $0x0;
	_ =	strace $0x90000047  }
0x86: {  	s0 =	sadd.s32 @!p0 $0x100000, s1;
	[bflag:$0x2] =	sbarrier.arrive $0xFFFF  }
0x87: {  	[sflag:s0] =	ssyncadd.tile.s32 @!p0 $0x1;
	_ =	shalt  }
.Lfunc_end2:
_tile_overlayer_lowered:
.L_overlay_start_2:
0x88: {  	(tag) =	ssettag $0x2  }
0x89: {  	s0 =	rddreg [dreg:$0x0];
	s2 =	stileid.u32  }
0x8a: {  	s1 =	rddreg [dreg:$0x1];
	p0 =	sne.s32 s2, $0x0  }
0x8b: {  	s3 =	rddreg [dreg:$0x2];
	[bflag:$0x3] =	sbarrier.arrive $0xFFFF;
	s2 =	simm.s32 @!p0 $0x1C01  }
0x8c: {  	[timem:s3], [sflag:s2] =	dma.local @!p0 [hbm:s0], s1  }
0x8d: {  	s0 =	simm.s32 @!p0 $0x1  }
0x8e: {  	_ =	swait.ge @!p0 [sflag:s0], s1  }
0x8f: {  	s1 =	ssub.s32 @!p0 $0x0, s1;
	[sflag:s0] =	ssyncset.done @!p0 $0x0  }
0x90: {  	[sflag:s0] =	ssyncadd.s32 @!p0 s1  }
0x91: {  	[bflag:$0x3] =	sbarrier.arrive $0xFFFF  }
0x92: {  	_ =	shalt  }

</sc_bundles>
